<compile_context>
chip_gen: v7x
topology: tpu7x:2x2x1
jax: 0.10.2.dev20260603
libtpu: 0.0.44.dev20260713+nightly
codegen_flags: <defaults>
</compile_context>

<pallas_src>
import functools

import jax
import jax.numpy as jnp
from jax import lax
from jax.experimental import pallas as pl
from jax.experimental.pallas import tpu as pltpu
from jax.experimental.pallas import tpu_sc as plsc

_COMMIT = 0.25

_BM = 256
_BN = 2048


_WINDOWS = (0, 2736, 5472, 8192)


def _argmin_body(x2_ref, x_ref, wn2_ref, w2_ref, idx_ref, acc_ref, *, n_emb):
    x = x_ref[...].astype(jnp.bfloat16)
    x2 = x2_ref[...]
    lane = lax.broadcasted_iota(jnp.int32, (_BM, 128), 1)
    minv = [jnp.full((_BM, 128), jnp.inf, dtype=jnp.float32) for _ in range(3)]
    mink = [jnp.zeros((_BM, 128), dtype=jnp.int32) for _ in range(3)]
    for c in range(n_emb // _BN):
        w = wn2_ref[c * _BN:(c + 1) * _BN, :]
        mm = lax.dot_general(x, w, (((1,), (1,)), ((), ())),
                             preferred_element_type=jnp.float32)
        for k in range(_BN // 128):
            j0 = (c * (_BN // 128) + k) * 128
            j1 = j0 + 128
            w2k = w2_ref[:, c * _BN + k * 128:c * _BN + (k + 1) * 128]
            mmk = lax.slice(mm, (0, k * 128), (_BM, (k + 1) * 128))
            dk = (x2 + w2k) + mmk
            for wnd in range(3):
                lo, hi = _WINDOWS[wnd], _WINDOWS[wnd + 1]
                if j1 <= lo or j0 >= hi:
                    continue
                cond = dk < minv[wnd]
                if j0 < lo:
                    cond = cond & (lane >= (lo - j0))
                if j1 > hi:
                    cond = cond & (lane < (hi - j0))
                minv[wnd] = jnp.where(cond, dk, minv[wnd])
                mink[wnd] = jnp.where(cond, j0, mink[wnd])
    wvals, widxs = [], []
    for wnd in range(3):
        lm = jnp.min(minv[wnd], axis=1)
        j = mink[wnd] + lane
        ii = jnp.where(minv[wnd] == lm[:, None], j, n_emb)
        wvals.append(lm)
        widxs.append(jnp.min(ii, axis=1))
    accv = jnp.full((_BM,), jnp.inf, dtype=jnp.float32)
    accx = jnp.zeros((_BM,), dtype=jnp.float32)
    acci = jnp.zeros((_BM,), dtype=jnp.int32)
    for wnd in range(3):
        keep = (accv < wvals[wnd]) | ((accv == wvals[wnd]) & (acci < widxs[wnd]))
        accv = jnp.where(keep, accv, wvals[wnd])
        accx = jnp.where(keep, accx, wvals[wnd])
        acci = jnp.where(keep, acci, widxs[wnd])
        accv = accv.astype(jnp.bfloat16).astype(jnp.float32)
    idx_ref[...] = acci.reshape(1, 1, _BM)

    @pl.when(pl.program_id(0) == 0)
    def _():
        acc_ref[...] = jnp.zeros_like(acc_ref)

    acc_ref[...] += jnp.sum(accx)[None, None]


def _argmin_indices(x2, flat, wn2, w2):
    m, d = flat.shape
    n_emb = wn2.shape[0]
    grid = (m // _BM,)
    out = pl.pallas_call(
        functools.partial(_argmin_body, n_emb=n_emb),
        grid=grid,
        in_specs=[
            pl.BlockSpec((_BM, 1), lambda i: (i, 0)),
            pl.BlockSpec((_BM, d), lambda i: (i, 0)),
            pl.BlockSpec((n_emb, d), lambda i: (0, 0)),
            pl.BlockSpec((1, n_emb), lambda i: (0, 0)),
        ],
        out_specs=[
            pl.BlockSpec((1, 1, _BM), lambda i: (i, 0, 0)),
            pl.BlockSpec((1, 1), lambda i: (0, 0)),
        ],
        out_shape=[
            jax.ShapeDtypeStruct((m // _BM, 1, _BM), jnp.int32),
            jax.ShapeDtypeStruct((1, 1), jnp.float32),
        ],
    )(x2, flat, wn2, w2)
    return out[0].reshape(m), out[1]


def _sc_gather(w, idx):
    info = plsc.get_sparse_core_info()
    nc, ns = info.num_cores, info.num_subcores
    nw = nc * ns
    b, d = idx.shape[0], w.shape[1]
    b_per_w = b // nw
    n_ch = 8
    n_buf = 4
    b_per_ch = b_per_w // n_ch
    mesh = plsc.VectorSubcoreMesh(core_axis_name="c", subcore_axis_name="s")

    @functools.partial(
        pl.kernel, mesh=mesh,
        out_type=jax.ShapeDtypeStruct((b, d), jnp.float32),
        scratch_types=[
            pltpu.VMEM((b_per_w,), jnp.int32),
        ] + [pltpu.VMEM((b_per_ch, d), jnp.float32)] * n_buf
          + [pltpu.SemaphoreType.DMA] * (2 * n_buf),
    )
    def k(w_hbm, idx_hbm, out_hbm, idx_v, *bufs_sems):
        bufs = bufs_sems[:n_buf]
        gsem = bufs_sems[n_buf:2 * n_buf]
        ssem = bufs_sems[2 * n_buf:]
        wid = lax.axis_index("s") * nc + lax.axis_index("c")
        base = wid * b_per_w
        pltpu.sync_copy(idx_hbm.at[pl.ds(base, b_per_w)], idx_v)
        g = [None] * n_ch
        s = [None] * n_ch
        for ch in range(n_ch):
            sl = ch % n_buf
            if ch >= n_buf:
                s[ch - n_buf].wait()
            g[ch] = pltpu.async_copy(
                w_hbm.at[idx_v.at[pl.ds(ch * b_per_ch, b_per_ch)]],
                bufs[sl], gsem[sl])
            if ch >= 1:
                p = ch - 1
                g[p].wait()
                s[p] = pltpu.async_copy(
                    bufs[p % n_buf],
                    out_hbm.at[pl.ds(base + p * b_per_ch, b_per_ch)],
                    ssem[p % n_buf])
        g[n_ch - 1].wait()
        s[n_ch - 1] = pltpu.async_copy(
            bufs[(n_ch - 1) % n_buf],
            out_hbm.at[pl.ds(base + (n_ch - 1) * b_per_ch, b_per_ch)],
            ssem[(n_ch - 1) % n_buf])
        for ch in range(n_ch - n_buf, n_ch):
            s[ch].wait()

    return k(w, idx)


def kernel(inputs, W):
    orig_shape = inputs.shape
    dim = W.shape[1]
    flat = inputs.reshape(-1, dim)
    m = flat.shape[0]
    x2 = jnp.sum(flat ** 2, axis=1, keepdims=True)
    w2 = jnp.sum(W ** 2, axis=1)[None, :]
    idx, acc = _argmin_indices(x2, flat, (-2.0 * W).astype(jnp.bfloat16), w2)
    q = _sc_gather(W, idx)
    mval = acc[0, 0] / jnp.float32(m * dim)
    loss = mval + _COMMIT * mval
    return (loss, q.reshape(orig_shape), idx[:, None].astype(jnp.int32))

# --- scband reference (transcript-rebuilt; emitter-appended) ---
"""Pipeline reference for scband-vector-quantizer-13649406066973 (READ-ONLY COPY).

The authoritative reference and input builder live on the scoring server;
editing this copy changes nothing except your own understanding.
"""

import jax, jax.numpy as jnp
import numpy as np

NUM_EMBEDDINGS = 8192
EMBEDDING_DIM = 256
COMMITMENT_COST = 0.25


def setup_inputs(seed: int = 0) -> dict:
    key = jax.random.key(seed)
    k1, k2 = jax.random.split(key)
    inputs = jax.random.normal(k1, (16, 1024, EMBEDDING_DIM), dtype=jnp.float32)
    W = jax.random.uniform(
        k2,
        (NUM_EMBEDDINGS, EMBEDDING_DIM),
        minval=-1.0 / NUM_EMBEDDINGS,
        maxval=1.0 / NUM_EMBEDDINGS,
        dtype=jnp.float32,
    )
    return {"inputs": inputs, "W": W}


def reference(inputs, W):
    flat_input = inputs.reshape(-1, EMBEDDING_DIM)
    distances = (
        jnp.sum(flat_input ** 2, axis=1, keepdims=True)
        + jnp.sum(W ** 2, axis=1)
        - 2.0 * jnp.matmul(flat_input, W.T)
    )
    encoding_indices = jnp.argmin(distances, axis=1)[:, None]
    # one-hot scatter (encodings.scatter_(1, idx, 1)) then matmul with codebook
    encodings = jnp.zeros((encoding_indices.shape[0], NUM_EMBEDDINGS), dtype=inputs.dtype)
    encodings = encodings.at[jnp.arange(encoding_indices.shape[0]), encoding_indices[:, 0]].set(1.0)
    quantized = jnp.matmul(encodings, W).reshape(inputs.shape)
    e_latent_loss = jnp.mean((jax.lax.stop_gradient(quantized) - inputs) ** 2)
    q_latent_loss = jnp.mean((quantized - jax.lax.stop_gradient(inputs)) ** 2)
    loss = q_latent_loss + COMMITMENT_COST * e_latent_loss
    quantized_st = inputs + jax.lax.stop_gradient(quantized - inputs)
    return (loss, quantized_st, encoding_indices)

if __name__ == "__main__":
    import jax
    _d = setup_inputs()
    print(jax.jit(kernel)(*tuple(_d.values())))

</pallas_src>

<mosaic_0001>
#map = affine_map<(d0, d1) -> (0, 0)>
#map1 = affine_map<(d0, d1) -> (0)>
module attributes {stable_mosaic.version = 14 : i64} {
  func.func @k(%arg0: i32, %arg1: i32, %arg2: memref<8192x256xf32, #tpu.memory_space<hbm>>, %arg3: memref<16384xi32, #tpu.memory_space<hbm>>, %arg4: memref<16384x256xf32, #tpu.memory_space<hbm>>, %arg5: memref<512xi32, #tpu.memory_space<vmem>>, %arg6: memref<64x256xf32, #tpu.memory_space<vmem>>, %arg7: memref<64x256xf32, #tpu.memory_space<vmem>>, %arg8: memref<64x256xf32, #tpu.memory_space<vmem>>, %arg9: memref<64x256xf32, #tpu.memory_space<vmem>>, %arg10: memref<!tpu.dma_semaphore, #tpu.memory_space<semaphore_mem>>, %arg11: memref<!tpu.dma_semaphore, #tpu.memory_space<semaphore_mem>>, %arg12: memref<!tpu.dma_semaphore, #tpu.memory_space<semaphore_mem>>, %arg13: memref<!tpu.dma_semaphore, #tpu.memory_space<semaphore_mem>>, %arg14: memref<!tpu.dma_semaphore, #tpu.memory_space<semaphore_mem>>, %arg15: memref<!tpu.dma_semaphore, #tpu.memory_space<semaphore_mem>>, %arg16: memref<!tpu.dma_semaphore, #tpu.memory_space<semaphore_mem>>, %arg17: memref<!tpu.dma_semaphore, #tpu.memory_space<semaphore_mem>>) attributes {dimension_semantics = [#tpu.dimension_semantics<core_parallel>, #tpu.dimension_semantics<subcore_parallel>], iteration_bounds = array<i64: 2, 16>, scalar_prefetch = 0 : i64, scratch_operands = 13 : i64, tpu.core_type = #tpu.core_type<sc_vector_subcore>, window_params = [{transform_indices = #map}, {transform_indices = #map1}, {transform_indices = #map}]} {
    %mul3A = arith.constant 2 : i32
    %mul3A_0 = arith.muli %arg1, %mul3A : i32
    %add3A = arith.addi %mul3A_0, %arg0 : i32
    %mul3A_1 = arith.constant 512 : i32
    %mul3A_2 = arith.muli %add3A, %mul3A_1 : i32
    "tpu.region"() ({
      %run_scoped3A = tpu.sem_alloc : memref<!tpu.dma_semaphore, #tpu.memory_space<semaphore_mem>>
      %dma_start3A_161 = tpu.memref_slice %arg3[%mul3A_2] : memref<16384xi32, #tpu.memory_space<hbm>> -> memref<512xi32, #tpu.memory_space<hbm>>
      %dma_start3A_162 = tpu.memref_slice %arg3[%mul3A_2] : memref<16384xi32, #tpu.memory_space<hbm>> -> memref<512xi32, #tpu.memory_space<hbm>>
      tpu.enqueue_dma source(%dma_start3A_162 : memref<512xi32, #tpu.memory_space<hbm>>) target(%arg5 : memref<512xi32, #tpu.memory_space<vmem>>) target_semaphore(%run_scoped3A : memref<!tpu.dma_semaphore, #tpu.memory_space<semaphore_mem>>)
      %dma_wait3A_163 = tpu.memref_slice %arg3[%mul3A_2] : memref<16384xi32, #tpu.memory_space<hbm>> -> memref<512xi32, #tpu.memory_space<hbm>>
      %dma_wait3A_164 = tpu.memref_slice %arg3[%mul3A_2] : memref<16384xi32, #tpu.memory_space<hbm>> -> memref<512xi32, #tpu.memory_space<hbm>>
      tpu.wait_dma2 semaphore(%run_scoped3A : memref<!tpu.dma_semaphore, #tpu.memory_space<semaphore_mem>>) src(%dma_wait3A_164 : memref<512xi32, #tpu.memory_space<hbm>>) dst(%arg5 : memref<512xi32, #tpu.memory_space<vmem>>)
      tpu.yield
    }) : () -> ()
    %dma_start3A = arith.constant 0 : i32
    %dma_start3A_3 = tpu.memref_slice %arg5[%dma_start3A] : memref<512xi32, #tpu.memory_space<vmem>> -> memref<64xi32, #tpu.memory_space<vmem>>
    %dma_start3A_4 = arith.constant 0 : i32
    %dma_start3A_5 = arith.constant 0 : i32
    %dma_start3A_6 = tpu.memref_slice %arg2[%dma_start3A_4, %dma_start3A_5] : memref<8192x256xf32, #tpu.memory_space<hbm>> -> memref<8192x256xf32, #tpu.memory_space<hbm>>
    tpu.enqueue_indirect_dma source(%dma_start3A_6 : memref<8192x256xf32, #tpu.memory_space<hbm>>) target(%arg6 : memref<64x256xf32, #tpu.memory_space<vmem>>) offsets(%dma_start3A_3 : memref<64xi32, #tpu.memory_space<vmem>>) semaphore(%arg10 : memref<!tpu.dma_semaphore, #tpu.memory_space<semaphore_mem>>)
    %dma_start3A_7 = arith.constant 64 : i32
    %dma_start3A_8 = tpu.memref_slice %arg5[%dma_start3A_7] : memref<512xi32, #tpu.memory_space<vmem>> -> memref<64xi32, #tpu.memory_space<vmem>>
    %dma_start3A_9 = arith.constant 0 : i32
    %dma_start3A_10 = arith.constant 0 : i32
    %dma_start3A_11 = tpu.memref_slice %arg2[%dma_start3A_9, %dma_start3A_10] : memref<8192x256xf32, #tpu.memory_space<hbm>> -> memref<8192x256xf32, #tpu.memory_space<hbm>>
    tpu.enqueue_indirect_dma source(%dma_start3A_11 : memref<8192x256xf32, #tpu.memory_space<hbm>>) target(%arg7 : memref<64x256xf32, #tpu.memory_space<vmem>>) offsets(%dma_start3A_8 : memref<64xi32, #tpu.memory_space<vmem>>) semaphore(%arg11 : memref<!tpu.dma_semaphore, #tpu.memory_space<semaphore_mem>>)
    %dma_wait3A = arith.constant 0 : i32
    %dma_wait3A_12 = tpu.memref_slice %arg5[%dma_wait3A] : memref<512xi32, #tpu.memory_space<vmem>> -> memref<64xi32, #tpu.memory_space<vmem>>
    %dma_wait3A_13 = arith.constant 0 : i32
    %dma_wait3A_14 = arith.constant 0 : i32
    %dma_wait3A_15 = tpu.memref_slice %arg2[%dma_wait3A_13, %dma_wait3A_14] : memref<8192x256xf32, #tpu.memory_space<hbm>> -> memref<8192x256xf32, #tpu.memory_space<hbm>>
    tpu.wait_indirect_dma semaphore(%arg10 : memref<!tpu.dma_semaphore, #tpu.memory_space<semaphore_mem>>) src(%dma_wait3A_15 : memref<8192x256xf32, #tpu.memory_space<hbm>>) dst(%arg6 : memref<64x256xf32, #tpu.memory_space<vmem>>)
    %add3A_16 = arith.constant 0 : i32
    %add3A_17 = arith.addi %mul3A_2, %add3A_16 : i32
    %dma_start3A_18 = arith.constant 0 : i32
    %dma_start3A_19 = tpu.memref_slice %arg4[%add3A_17, %dma_start3A_18] : memref<16384x256xf32, #tpu.memory_space<hbm>> -> memref<64x256xf32, #tpu.memory_space<hbm>>
    %dma_start3A_20 = arith.constant 0 : i32
    %dma_start3A_21 = tpu.memref_slice %arg4[%add3A_17, %dma_start3A_20] : memref<16384x256xf32, #tpu.memory_space<hbm>> -> memref<64x256xf32, #tpu.memory_space<hbm>>
    tpu.enqueue_dma source(%arg6 : memref<64x256xf32, #tpu.memory_space<vmem>>) target(%dma_start3A_21 : memref<64x256xf32, #tpu.memory_space<hbm>>) target_semaphore(%arg14 : memref<!tpu.dma_semaphore, #tpu.memory_space<semaphore_mem>>)
    %dma_start3A_22 = arith.constant 128 : i32
    %dma_start3A_23 = tpu.memref_slice %arg5[%dma_start3A_22] : memref<512xi32, #tpu.memory_space<vmem>> -> memref<64xi32, #tpu.memory_space<vmem>>
    %dma_start3A_24 = arith.constant 0 : i32
    %dma_start3A_25 = arith.constant 0 : i32
    %dma_start3A_26 = tpu.memref_slice %arg2[%dma_start3A_24, %dma_start3A_25] : memref<8192x256xf32, #tpu.memory_space<hbm>> -> memref<8192x256xf32, #tpu.memory_space<hbm>>
    tpu.enqueue_indirect_dma source(%dma_start3A_26 : memref<8192x256xf32, #tpu.memory_space<hbm>>) target(%arg8 : memref<64x256xf32, #tpu.memory_space<vmem>>) offsets(%dma_start3A_23 : memref<64xi32, #tpu.memory_space<vmem>>) semaphore(%arg12 : memref<!tpu.dma_semaphore, #tpu.memory_space<semaphore_mem>>)
    %dma_wait3A_27 = arith.constant 64 : i32
    %dma_wait3A_28 = tpu.memref_slice %arg5[%dma_wait3A_27] : memref<512xi32, #tpu.memory_space<vmem>> -> memref<64xi32, #tpu.memory_space<vmem>>
    %dma_wait3A_29 = arith.constant 0 : i32
    %dma_wait3A_30 = arith.constant 0 : i32
    %dma_wait3A_31 = tpu.memref_slice %arg2[%dma_wait3A_29, %dma_wait3A_30] : memref<8192x256xf32, #tpu.memory_space<hbm>> -> memref<8192x256xf32, #tpu.memory_space<hbm>>
    tpu.wait_indirect_dma semaphore(%arg11 : memref<!tpu.dma_semaphore, #tpu.memory_space<semaphore_mem>>) src(%dma_wait3A_31 : memref<8192x256xf32, #tpu.memory_space<hbm>>) dst(%arg7 : memref<64x256xf32, #tpu.memory_space<vmem>>)
    %add3A_32 = arith.constant 64 : i32
    %add3A_33 = arith.addi %mul3A_2, %add3A_32 : i32
    %dma_start3A_34 = arith.constant 0 : i32
    %dma_start3A_35 = tpu.memref_slice %arg4[%add3A_33, %dma_start3A_34] : memref<16384x256xf32, #tpu.memory_space<hbm>> -> memref<64x256xf32, #tpu.memory_space<hbm>>
    %dma_start3A_36 = arith.constant 0 : i32
    %dma_start3A_37 = tpu.memref_slice %arg4[%add3A_33, %dma_start3A_36] : memref<16384x256xf32, #tpu.memory_space<hbm>> -> memref<64x256xf32, #tpu.memory_space<hbm>>
    tpu.enqueue_dma source(%arg7 : memref<64x256xf32, #tpu.memory_space<vmem>>) target(%dma_start3A_37 : memref<64x256xf32, #tpu.memory_space<hbm>>) target_semaphore(%arg15 : memref<!tpu.dma_semaphore, #tpu.memory_space<semaphore_mem>>)
    %dma_start3A_38 = arith.constant 192 : i32
    %dma_start3A_39 = tpu.memref_slice %arg5[%dma_start3A_38] : memref<512xi32, #tpu.memory_space<vmem>> -> memref<64xi32, #tpu.memory_space<vmem>>
    %dma_start3A_40 = arith.constant 0 : i32
    %dma_start3A_41 = arith.constant 0 : i32
    %dma_start3A_42 = tpu.memref_slice %arg2[%dma_start3A_40, %dma_start3A_41] : memref<8192x256xf32, #tpu.memory_space<hbm>> -> memref<8192x256xf32, #tpu.memory_space<hbm>>
    tpu.enqueue_indirect_dma source(%dma_start3A_42 : memref<8192x256xf32, #tpu.memory_space<hbm>>) target(%arg9 : memref<64x256xf32, #tpu.memory_space<vmem>>) offsets(%dma_start3A_39 : memref<64xi32, #tpu.memory_space<vmem>>) semaphore(%arg13 : memref<!tpu.dma_semaphore, #tpu.memory_space<semaphore_mem>>)
    %dma_wait3A_43 = arith.constant 128 : i32
    %dma_wait3A_44 = tpu.memref_slice %arg5[%dma_wait3A_43] : memref<512xi32, #tpu.memory_space<vmem>> -> memref<64xi32, #tpu.memory_space<vmem>>
    %dma_wait3A_45 = arith.constant 0 : i32
    %dma_wait3A_46 = arith.constant 0 : i32
    %dma_wait3A_47 = tpu.memref_slice %arg2[%dma_wait3A_45, %dma_wait3A_46] : memref<8192x256xf32, #tpu.memory_space<hbm>> -> memref<8192x256xf32, #tpu.memory_space<hbm>>
    tpu.wait_indirect_dma semaphore(%arg12 : memref<!tpu.dma_semaphore, #tpu.memory_space<semaphore_mem>>) src(%dma_wait3A_47 : memref<8192x256xf32, #tpu.memory_space<hbm>>) dst(%arg8 : memref<64x256xf32, #tpu.memory_space<vmem>>)
    %add3A_48 = arith.constant 128 : i32
    %add3A_49 = arith.addi %mul3A_2, %add3A_48 : i32
    %dma_start3A_50 = arith.constant 0 : i32
    %dma_start3A_51 = tpu.memref_slice %arg4[%add3A_49, %dma_start3A_50] : memref<16384x256xf32, #tpu.memory_space<hbm>> -> memref<64x256xf32, #tpu.memory_space<hbm>>
    %dma_start3A_52 = arith.constant 0 : i32
    %dma_start3A_53 = tpu.memref_slice %arg4[%add3A_49, %dma_start3A_52] : memref<16384x256xf32, #tpu.memory_space<hbm>> -> memref<64x256xf32, #tpu.memory_space<hbm>>
    tpu.enqueue_dma source(%arg8 : memref<64x256xf32, #tpu.memory_space<vmem>>) target(%dma_start3A_53 : memref<64x256xf32, #tpu.memory_space<hbm>>) target_semaphore(%arg16 : memref<!tpu.dma_semaphore, #tpu.memory_space<semaphore_mem>>)
    %dma_wait3A_54 = arith.constant 0 : i32
    %dma_wait3A_55 = tpu.memref_slice %arg4[%add3A_17, %dma_wait3A_54] : memref<16384x256xf32, #tpu.memory_space<hbm>> -> memref<64x256xf32, #tpu.memory_space<hbm>>
    %dma_wait3A_56 = arith.constant 0 : i32
    %dma_wait3A_57 = tpu.memref_slice %arg4[%add3A_17, %dma_wait3A_56] : memref<16384x256xf32, #tpu.memory_space<hbm>> -> memref<64x256xf32, #tpu.memory_space<hbm>>
    tpu.wait_dma2 semaphore(%arg14 : memref<!tpu.dma_semaphore, #tpu.memory_space<semaphore_mem>>) src(%arg6 : memref<64x256xf32, #tpu.memory_space<vmem>>) dst(%dma_wait3A_57 : memref<64x256xf32, #tpu.memory_space<hbm>>)
    %dma_start3A_58 = arith.constant 256 : i32
    %dma_start3A_59 = tpu.memref_slice %arg5[%dma_start3A_58] : memref<512xi32, #tpu.memory_space<vmem>> -> memref<64xi32, #tpu.memory_space<vmem>>
    %dma_start3A_60 = arith.constant 0 : i32
    %dma_start3A_61 = arith.constant 0 : i32
    %dma_start3A_62 = tpu.memref_slice %arg2[%dma_start3A_60, %dma_start3A_61] : memref<8192x256xf32, #tpu.memory_space<hbm>> -> memref<8192x256xf32, #tpu.memory_space<hbm>>
    tpu.enqueue_indirect_dma source(%dma_start3A_62 : memref<8192x256xf32, #tpu.memory_space<hbm>>) target(%arg6 : memref<64x256xf32, #tpu.memory_space<vmem>>) offsets(%dma_start3A_59 : memref<64xi32, #tpu.memory_space<vmem>>) semaphore(%arg10 : memref<!tpu.dma_semaphore, #tpu.memory_space<semaphore_mem>>)
    %dma_wait3A_63 = arith.constant 192 : i32
    %dma_wait3A_64 = tpu.memref_slice %arg5[%dma_wait3A_63] : memref<512xi32, #tpu.memory_space<vmem>> -> memref<64xi32, #tpu.memory_space<vmem>>
    %dma_wait3A_65 = arith.constant 0 : i32
    %dma_wait3A_66 = arith.constant 0 : i32
    %dma_wait3A_67 = tpu.memref_slice %arg2[%dma_wait3A_65, %dma_wait3A_66] : memref<8192x256xf32, #tpu.memory_space<hbm>> -> memref<8192x256xf32, #tpu.memory_space<hbm>>
    tpu.wait_indirect_dma semaphore(%arg13 : memref<!tpu.dma_semaphore, #tpu.memory_space<semaphore_mem>>) src(%dma_wait3A_67 : memref<8192x256xf32, #tpu.memory_space<hbm>>) dst(%arg9 : memref<64x256xf32, #tpu.memory_space<vmem>>)
    %add3A_68 = arith.constant 192 : i32
    %add3A_69 = arith.addi %mul3A_2, %add3A_68 : i32
    %dma_start3A_70 = arith.constant 0 : i32
    %dma_start3A_71 = tpu.memref_slice %arg4[%add3A_69, %dma_start3A_70] : memref<16384x256xf32, #tpu.memory_space<hbm>> -> memref<64x256xf32, #tpu.memory_space<hbm>>
    %dma_start3A_72 = arith.constant 0 : i32
    %dma_start3A_73 = tpu.memref_slice %arg4[%add3A_69, %dma_start3A_72] : memref<16384x256xf32, #tpu.memory_space<hbm>> -> memref<64x256xf32, #tpu.memory_space<hbm>>
    tpu.enqueue_dma source(%arg9 : memref<64x256xf32, #tpu.memory_space<vmem>>) target(%dma_start3A_73 : memref<64x256xf32, #tpu.memory_space<hbm>>) target_semaphore(%arg17 : memref<!tpu.dma_semaphore, #tpu.memory_space<semaphore_mem>>)
    %dma_wait3A_74 = arith.constant 0 : i32
    %dma_wait3A_75 = tpu.memref_slice %arg4[%add3A_33, %dma_wait3A_74] : memref<16384x256xf32, #tpu.memory_space<hbm>> -> memref<64x256xf32, #tpu.memory_space<hbm>>
    %dma_wait3A_76 = arith.constant 0 : i32
    %dma_wait3A_77 = tpu.memref_slice %arg4[%add3A_33, %dma_wait3A_76] : memref<16384x256xf32, #tpu.memory_space<hbm>> -> memref<64x256xf32, #tpu.memory_space<hbm>>
    tpu.wait_dma2 semaphore(%arg15 : memref<!tpu.dma_semaphore, #tpu.memory_space<semaphore_mem>>) src(%arg7 : memref<64x256xf32, #tpu.memory_space<vmem>>) dst(%dma_wait3A_77 : memref<64x256xf32, #tpu.memory_space<hbm>>)
    %dma_start3A_78 = arith.constant 320 : i32
    %dma_start3A_79 = tpu.memref_slice %arg5[%dma_start3A_78] : memref<512xi32, #tpu.memory_space<vmem>> -> memref<64xi32, #tpu.memory_space<vmem>>
    %dma_start3A_80 = arith.constant 0 : i32
    %dma_start3A_81 = arith.constant 0 : i32
    %dma_start3A_82 = tpu.memref_slice %arg2[%dma_start3A_80, %dma_start3A_81] : memref<8192x256xf32, #tpu.memory_space<hbm>> -> memref<8192x256xf32, #tpu.memory_space<hbm>>
    tpu.enqueue_indirect_dma source(%dma_start3A_82 : memref<8192x256xf32, #tpu.memory_space<hbm>>) target(%arg7 : memref<64x256xf32, #tpu.memory_space<vmem>>) offsets(%dma_start3A_79 : memref<64xi32, #tpu.memory_space<vmem>>) semaphore(%arg11 : memref<!tpu.dma_semaphore, #tpu.memory_space<semaphore_mem>>)
    %dma_wait3A_83 = arith.constant 256 : i32
    %dma_wait3A_84 = tpu.memref_slice %arg5[%dma_wait3A_83] : memref<512xi32, #tpu.memory_space<vmem>> -> memref<64xi32, #tpu.memory_space<vmem>>
    %dma_wait3A_85 = arith.constant 0 : i32
    %dma_wait3A_86 = arith.constant 0 : i32
    %dma_wait3A_87 = tpu.memref_slice %arg2[%dma_wait3A_85, %dma_wait3A_86] : memref<8192x256xf32, #tpu.memory_space<hbm>> -> memref<8192x256xf32, #tpu.memory_space<hbm>>
    tpu.wait_indirect_dma semaphore(%arg10 : memref<!tpu.dma_semaphore, #tpu.memory_space<semaphore_mem>>) src(%dma_wait3A_87 : memref<8192x256xf32, #tpu.memory_space<hbm>>) dst(%arg6 : memref<64x256xf32, #tpu.memory_space<vmem>>)
    %add3A_88 = arith.constant 256 : i32
    %add3A_89 = arith.addi %mul3A_2, %add3A_88 : i32
    %dma_start3A_90 = arith.constant 0 : i32
    %dma_start3A_91 = tpu.memref_slice %arg4[%add3A_89, %dma_start3A_90] : memref<16384x256xf32, #tpu.memory_space<hbm>> -> memref<64x256xf32, #tpu.memory_space<hbm>>
    %dma_start3A_92 = arith.constant 0 : i32
    %dma_start3A_93 = tpu.memref_slice %arg4[%add3A_89, %dma_start3A_92] : memref<16384x256xf32, #tpu.memory_space<hbm>> -> memref<64x256xf32, #tpu.memory_space<hbm>>
    tpu.enqueue_dma source(%arg6 : memref<64x256xf32, #tpu.memory_space<vmem>>) target(%dma_start3A_93 : memref<64x256xf32, #tpu.memory_space<hbm>>) target_semaphore(%arg14 : memref<!tpu.dma_semaphore, #tpu.memory_space<semaphore_mem>>)
    %dma_wait3A_94 = arith.constant 0 : i32
    %dma_wait3A_95 = tpu.memref_slice %arg4[%add3A_49, %dma_wait3A_94] : memref<16384x256xf32, #tpu.memory_space<hbm>> -> memref<64x256xf32, #tpu.memory_space<hbm>>
    %dma_wait3A_96 = arith.constant 0 : i32
    %dma_wait3A_97 = tpu.memref_slice %arg4[%add3A_49, %dma_wait3A_96] : memref<16384x256xf32, #tpu.memory_space<hbm>> -> memref<64x256xf32, #tpu.memory_space<hbm>>
    tpu.wait_dma2 semaphore(%arg16 : memref<!tpu.dma_semaphore, #tpu.memory_space<semaphore_mem>>) src(%arg8 : memref<64x256xf32, #tpu.memory_space<vmem>>) dst(%dma_wait3A_97 : memref<64x256xf32, #tpu.memory_space<hbm>>)
    %dma_start3A_98 = arith.constant 384 : i32
    %dma_start3A_99 = tpu.memref_slice %arg5[%dma_start3A_98] : memref<512xi32, #tpu.memory_space<vmem>> -> memref<64xi32, #tpu.memory_space<vmem>>
    %dma_start3A_100 = arith.constant 0 : i32
    %dma_start3A_101 = arith.constant 0 : i32
    %dma_start3A_102 = tpu.memref_slice %arg2[%dma_start3A_100, %dma_start3A_101] : memref<8192x256xf32, #tpu.memory_space<hbm>> -> memref<8192x256xf32, #tpu.memory_space<hbm>>
    tpu.enqueue_indirect_dma source(%dma_start3A_102 : memref<8192x256xf32, #tpu.memory_space<hbm>>) target(%arg8 : memref<64x256xf32, #tpu.memory_space<vmem>>) offsets(%dma_start3A_99 : memref<64xi32, #tpu.memory_space<vmem>>) semaphore(%arg12 : memref<!tpu.dma_semaphore, #tpu.memory_space<semaphore_mem>>)
    %dma_wait3A_103 = arith.constant 320 : i32
    %dma_wait3A_104 = tpu.memref_slice %arg5[%dma_wait3A_103] : memref<512xi32, #tpu.memory_space<vmem>> -> memref<64xi32, #tpu.memory_space<vmem>>
    %dma_wait3A_105 = arith.constant 0 : i32
    %dma_wait3A_106 = arith.constant 0 : i32
    %dma_wait3A_107 = tpu.memref_slice %arg2[%dma_wait3A_105, %dma_wait3A_106] : memref<8192x256xf32, #tpu.memory_space<hbm>> -> memref<8192x256xf32, #tpu.memory_space<hbm>>
    tpu.wait_indirect_dma semaphore(%arg11 : memref<!tpu.dma_semaphore, #tpu.memory_space<semaphore_mem>>) src(%dma_wait3A_107 : memref<8192x256xf32, #tpu.memory_space<hbm>>) dst(%arg7 : memref<64x256xf32, #tpu.memory_space<vmem>>)
    %add3A_108 = arith.constant 320 : i32
    %add3A_109 = arith.addi %mul3A_2, %add3A_108 : i32
    %dma_start3A_110 = arith.constant 0 : i32
    %dma_start3A_111 = tpu.memref_slice %arg4[%add3A_109, %dma_start3A_110] : memref<16384x256xf32, #tpu.memory_space<hbm>> -> memref<64x256xf32, #tpu.memory_space<hbm>>
    %dma_start3A_112 = arith.constant 0 : i32
    %dma_start3A_113 = tpu.memref_slice %arg4[%add3A_109, %dma_start3A_112] : memref<16384x256xf32, #tpu.memory_space<hbm>> -> memref<64x256xf32, #tpu.memory_space<hbm>>
    tpu.enqueue_dma source(%arg7 : memref<64x256xf32, #tpu.memory_space<vmem>>) target(%dma_start3A_113 : memref<64x256xf32, #tpu.memory_space<hbm>>) target_semaphore(%arg15 : memref<!tpu.dma_semaphore, #tpu.memory_space<semaphore_mem>>)
    %dma_wait3A_114 = arith.constant 0 : i32
    %dma_wait3A_115 = tpu.memref_slice %arg4[%add3A_69, %dma_wait3A_114] : memref<16384x256xf32, #tpu.memory_space<hbm>> -> memref<64x256xf32, #tpu.memory_space<hbm>>
    %dma_wait3A_116 = arith.constant 0 : i32
    %dma_wait3A_117 = tpu.memref_slice %arg4[%add3A_69, %dma_wait3A_116] : memref<16384x256xf32, #tpu.memory_space<hbm>> -> memref<64x256xf32, #tpu.memory_space<hbm>>
    tpu.wait_dma2 semaphore(%arg17 : memref<!tpu.dma_semaphore, #tpu.memory_space<semaphore_mem>>) src(%arg9 : memref<64x256xf32, #tpu.memory_space<vmem>>) dst(%dma_wait3A_117 : memref<64x256xf32, #tpu.memory_space<hbm>>)
    %dma_start3A_118 = arith.constant 448 : i32
    %dma_start3A_119 = tpu.memref_slice %arg5[%dma_start3A_118] : memref<512xi32, #tpu.memory_space<vmem>> -> memref<64xi32, #tpu.memory_space<vmem>>
    %dma_start3A_120 = arith.constant 0 : i32
    %dma_start3A_121 = arith.constant 0 : i32
    %dma_start3A_122 = tpu.memref_slice %arg2[%dma_start3A_120, %dma_start3A_121] : memref<8192x256xf32, #tpu.memory_space<hbm>> -> memref<8192x256xf32, #tpu.memory_space<hbm>>
    tpu.enqueue_indirect_dma source(%dma_start3A_122 : memref<8192x256xf32, #tpu.memory_space<hbm>>) target(%arg9 : memref<64x256xf32, #tpu.memory_space<vmem>>) offsets(%dma_start3A_119 : memref<64xi32, #tpu.memory_space<vmem>>) semaphore(%arg13 : memref<!tpu.dma_semaphore, #tpu.memory_space<semaphore_mem>>)
    %dma_wait3A_123 = arith.constant 384 : i32
    %dma_wait3A_124 = tpu.memref_slice %arg5[%dma_wait3A_123] : memref<512xi32, #tpu.memory_space<vmem>> -> memref<64xi32, #tpu.memory_space<vmem>>
    %dma_wait3A_125 = arith.constant 0 : i32
    %dma_wait3A_126 = arith.constant 0 : i32
    %dma_wait3A_127 = tpu.memref_slice %arg2[%dma_wait3A_125, %dma_wait3A_126] : memref<8192x256xf32, #tpu.memory_space<hbm>> -> memref<8192x256xf32, #tpu.memory_space<hbm>>
    tpu.wait_indirect_dma semaphore(%arg12 : memref<!tpu.dma_semaphore, #tpu.memory_space<semaphore_mem>>) src(%dma_wait3A_127 : memref<8192x256xf32, #tpu.memory_space<hbm>>) dst(%arg8 : memref<64x256xf32, #tpu.memory_space<vmem>>)
    %add3A_128 = arith.constant 384 : i32
    %add3A_129 = arith.addi %mul3A_2, %add3A_128 : i32
    %dma_start3A_130 = arith.constant 0 : i32
    %dma_start3A_131 = tpu.memref_slice %arg4[%add3A_129, %dma_start3A_130] : memref<16384x256xf32, #tpu.memory_space<hbm>> -> memref<64x256xf32, #tpu.memory_space<hbm>>
    %dma_start3A_132 = arith.constant 0 : i32
    %dma_start3A_133 = tpu.memref_slice %arg4[%add3A_129, %dma_start3A_132] : memref<16384x256xf32, #tpu.memory_space<hbm>> -> memref<64x256xf32, #tpu.memory_space<hbm>>
    tpu.enqueue_dma source(%arg8 : memref<64x256xf32, #tpu.memory_space<vmem>>) target(%dma_start3A_133 : memref<64x256xf32, #tpu.memory_space<hbm>>) target_semaphore(%arg16 : memref<!tpu.dma_semaphore, #tpu.memory_space<semaphore_mem>>)
    %dma_wait3A_134 = arith.constant 448 : i32
    %dma_wait3A_135 = tpu.memref_slice %arg5[%dma_wait3A_134] : memref<512xi32, #tpu.memory_space<vmem>> -> memref<64xi32, #tpu.memory_space<vmem>>
    %dma_wait3A_136 = arith.constant 0 : i32
    %dma_wait3A_137 = arith.constant 0 : i32
    %dma_wait3A_138 = tpu.memref_slice %arg2[%dma_wait3A_136, %dma_wait3A_137] : memref<8192x256xf32, #tpu.memory_space<hbm>> -> memref<8192x256xf32, #tpu.memory_space<hbm>>
    tpu.wait_indirect_dma semaphore(%arg13 : memref<!tpu.dma_semaphore, #tpu.memory_space<semaphore_mem>>) src(%dma_wait3A_138 : memref<8192x256xf32, #tpu.memory_space<hbm>>) dst(%arg9 : memref<64x256xf32, #tpu.memory_space<vmem>>)
    %add3A_139 = arith.constant 448 : i32
    %add3A_140 = arith.addi %mul3A_2, %add3A_139 : i32
    %dma_start3A_141 = arith.constant 0 : i32
    %dma_start3A_142 = tpu.memref_slice %arg4[%add3A_140, %dma_start3A_141] : memref<16384x256xf32, #tpu.memory_space<hbm>> -> memref<64x256xf32, #tpu.memory_space<hbm>>
    %dma_start3A_143 = arith.constant 0 : i32
    %dma_start3A_144 = tpu.memref_slice %arg4[%add3A_140, %dma_start3A_143] : memref<16384x256xf32, #tpu.memory_space<hbm>> -> memref<64x256xf32, #tpu.memory_space<hbm>>
    tpu.enqueue_dma source(%arg9 : memref<64x256xf32, #tpu.memory_space<vmem>>) target(%dma_start3A_144 : memref<64x256xf32, #tpu.memory_space<hbm>>) target_semaphore(%arg17 : memref<!tpu.dma_semaphore, #tpu.memory_space<semaphore_mem>>)
    %dma_wait3A_145 = arith.constant 0 : i32
    %dma_wait3A_146 = tpu.memref_slice %arg4[%add3A_89, %dma_wait3A_145] : memref<16384x256xf32, #tpu.memory_space<hbm>> -> memref<64x256xf32, #tpu.memory_space<hbm>>
    %dma_wait3A_147 = arith.constant 0 : i32
    %dma_wait3A_148 = tpu.memref_slice %arg4[%add3A_89, %dma_wait3A_147] : memref<16384x256xf32, #tpu.memory_space<hbm>> -> memref<64x256xf32, #tpu.memory_space<hbm>>
    tpu.wait_dma2 semaphore(%arg14 : memref<!tpu.dma_semaphore, #tpu.memory_space<semaphore_mem>>) src(%arg6 : memref<64x256xf32, #tpu.memory_space<vmem>>) dst(%dma_wait3A_148 : memref<64x256xf32, #tpu.memory_space<hbm>>)
    %dma_wait3A_149 = arith.constant 0 : i32
    %dma_wait3A_150 = tpu.memref_slice %arg4[%add3A_109, %dma_wait3A_149] : memref<16384x256xf32, #tpu.memory_space<hbm>> -> memref<64x256xf32, #tpu.memory_space<hbm>>
    %dma_wait3A_151 = arith.constant 0 : i32
    %dma_wait3A_152 = tpu.memref_slice %arg4[%add3A_109, %dma_wait3A_151] : memref<16384x256xf32, #tpu.memory_space<hbm>> -> memref<64x256xf32, #tpu.memory_space<hbm>>
    tpu.wait_dma2 semaphore(%arg15 : memref<!tpu.dma_semaphore, #tpu.memory_space<semaphore_mem>>) src(%arg7 : memref<64x256xf32, #tpu.memory_space<vmem>>) dst(%dma_wait3A_152 : memref<64x256xf32, #tpu.memory_space<hbm>>)
    %dma_wait3A_153 = arith.constant 0 : i32
    %dma_wait3A_154 = tpu.memref_slice %arg4[%add3A_129, %dma_wait3A_153] : memref<16384x256xf32, #tpu.memory_space<hbm>> -> memref<64x256xf32, #tpu.memory_space<hbm>>
    %dma_wait3A_155 = arith.constant 0 : i32
    %dma_wait3A_156 = tpu.memref_slice %arg4[%add3A_129, %dma_wait3A_155] : memref<16384x256xf32, #tpu.memory_space<hbm>> -> memref<64x256xf32, #tpu.memory_space<hbm>>
    tpu.wait_dma2 semaphore(%arg16 : memref<!tpu.dma_semaphore, #tpu.memory_space<semaphore_mem>>) src(%arg8 : memref<64x256xf32, #tpu.memory_space<vmem>>) dst(%dma_wait3A_156 : memref<64x256xf32, #tpu.memory_space<hbm>>)
    %dma_wait3A_157 = arith.constant 0 : i32
    %dma_wait3A_158 = tpu.memref_slice %arg4[%add3A_140, %dma_wait3A_157] : memref<16384x256xf32, #tpu.memory_space<hbm>> -> memref<64x256xf32, #tpu.memory_space<hbm>>
    %dma_wait3A_159 = arith.constant 0 : i32
    %dma_wait3A_160 = tpu.memref_slice %arg4[%add3A_140, %dma_wait3A_159] : memref<16384x256xf32, #tpu.memory_space<hbm>> -> memref<64x256xf32, #tpu.memory_space<hbm>>
    tpu.wait_dma2 semaphore(%arg17 : memref<!tpu.dma_semaphore, #tpu.memory_space<semaphore_mem>>) src(%arg9 : memref<64x256xf32, #tpu.memory_space<vmem>>) dst(%dma_wait3A_160 : memref<64x256xf32, #tpu.memory_space<hbm>>)
    return
  }
}

module attributes {stable_mosaic.version = 14 : i64} {
  func.func @_argmin_body(%arg0: i32, %arg1: memref<256x1xf32, #tpu.memory_space<vmem>>, %arg2: memref<256x256xf32, #tpu.memory_space<vmem>>, %arg3: memref<8192x256xbf16, #tpu.memory_space<vmem>>, %arg4: memref<1x8192xf32, #tpu.memory_space<vmem>>, %arg5: memref<1x1x256xi32, #tpu.memory_space<vmem>>, %arg6: memref<1x1xf32, #tpu.memory_space<vmem>>) attributes {dimension_semantics = [#tpu.dimension_semantics<arbitrary>], iteration_bounds = array<i64: 64>, scalar_prefetch = 0 : i64, scratch_operands = 0 : i64, tpu.core_type = #tpu.core_type<tc>, window_params = [{transform_indices = @transform_0, window_bounds = array<i64: 256, 1>}, {transform_indices = @transform_1, window_bounds = array<i64: 256, 256>}, {pipeline_mode = #tpu.pipeline_mode<synchronous>, transform_indices = @transform_2, window_bounds = array<i64: 8192, 256>}, {pipeline_mode = #tpu.pipeline_mode<synchronous>, transform_indices = @transform_3, window_bounds = array<i64: 1, 8192>}, {transform_indices = @transform_4, window_bounds = array<i64: 1, 1, 256>}, {pipeline_mode = #tpu.pipeline_mode<synchronous>, transform_indices = @transform_5, window_bounds = array<i64: 1, 1>}]} {
    %get3A = arith.constant 0 : index
    %get3A_0 = arith.constant 0 : index
    %get3A_1 = vector.load %arg2[%get3A, %get3A_0] : memref<256x256xf32, #tpu.memory_space<vmem>>, vector<256x256xf32>
    %convert_element_type3A = arith.truncf %get3A_1 : vector<256x256xf32> to vector<256x256xbf16>
    %get3A_2 = arith.constant 0 : index
    %get3A_3 = arith.constant 0 : index
    %get3A_4 = vector.load %arg1[%get3A_2, %get3A_3] : memref<256x1xf32, #tpu.memory_space<vmem>>, vector<256x1xf32>
    %iota3A = tpu.iota {dimensions = array<i32: 1>} : vector<256x128xi32>
    %broadcast_in_dim3A = arith.constant 0x7F800000 : f32
    %broadcast_in_dim3A_5 = vector.broadcast %broadcast_in_dim3A : f32 to vector<256x128xf32>
    %broadcast_in_dim3A_6 = arith.constant 0x7F800000 : f32
    %broadcast_in_dim3A_7 = vector.broadcast %broadcast_in_dim3A_6 : f32 to vector<256x128xf32>
    %broadcast_in_dim3A_8 = arith.constant 0x7F800000 : f32
    %broadcast_in_dim3A_9 = vector.broadcast %broadcast_in_dim3A_8 : f32 to vector<256x128xf32>
    %broadcast_in_dim3A_10 = arith.constant 0 : i32
    %broadcast_in_dim3A_11 = vector.broadcast %broadcast_in_dim3A_10 : i32 to vector<256x128xi32>
    %broadcast_in_dim3A_12 = arith.constant 0 : i32
    %broadcast_in_dim3A_13 = vector.broadcast %broadcast_in_dim3A_12 : i32 to vector<256x128xi32>
    %broadcast_in_dim3A_14 = arith.constant 0 : i32
    %broadcast_in_dim3A_15 = vector.broadcast %broadcast_in_dim3A_14 : i32 to vector<256x128xi32>
    %get3A_16 = arith.constant 0 : index
    %get3A_17 = arith.constant 0 : index
    %get3A_18 = vector.load %arg3[%get3A_16, %get3A_17] : memref<8192x256xbf16, #tpu.memory_space<vmem>>, vector<2048x256xbf16>
    %dot_general3A = arith.constant dense<0.000000e+00> : vector<256x2048xf32>
    %dot_general3A_19 = tpu.matmul %convert_element_type3A, %get3A_18, %dot_general3A {dimension_numbers = #tpu.dot_dimension_numbers<[1], [1], [0], [0], [0, 0, 1, 0], [], []>, transpose_lhs_hint = false} : vector<256x256xbf16>, vector<2048x256xbf16>, vector<256x2048xf32> -> vector<256x2048xf32>
    %get3A_20 = arith.constant 0 : index
    %get3A_21 = arith.constant 0 : index
    %get3A_22 = vector.load %arg4[%get3A_20, %get3A_21] : memref<1x8192xf32, #tpu.memory_space<vmem>>, vector<1x128xf32>
    %slice3A = vector.extract_strided_slice %dot_general3A_19 {offsets = [0, 0], sizes = [256, 128], strides = [1, 1]} : vector<256x2048xf32> to vector<256x128xf32>
    %add3A = vector.broadcast %get3A_4 : vector<256x1xf32> to vector<256x128xf32>
    %add3A_23 = vector.broadcast %get3A_22 : vector<1x128xf32> to vector<256x128xf32>
    %add3A_24 = arith.addf %add3A, %add3A_23 : vector<256x128xf32>
    %add3A_25 = arith.addf %add3A_24, %slice3A : vector<256x128xf32>
    %lt3A = arith.cmpf olt, %add3A_25, %broadcast_in_dim3A_5 : vector<256x128xf32>
    %select_n3A = arith.select %lt3A, %add3A_25, %broadcast_in_dim3A_5 : vector<256x128xi1>, vector<256x128xf32>
    %jit3A = arith.constant 0 : i32
    %broadcast_in_dim3A_26 = vector.broadcast %jit3A : i32 to vector<256x128xi32>
    %select_n3A_27 = arith.select %lt3A, %broadcast_in_dim3A_26, %broadcast_in_dim3A_11 : vector<256x128xi1>, vector<256x128xi32>
    %get3A_28 = arith.constant 0 : index
    %get3A_29 = arith.constant 128 : index
    %get3A_30 = vector.load %arg4[%get3A_28, %get3A_29] : memref<1x8192xf32, #tpu.memory_space<vmem>>, vector<1x128xf32>
    %slice3A_31 = vector.extract_strided_slice %dot_general3A_19 {offsets = [0, 128], sizes = [256, 128], strides = [1, 1]} : vector<256x2048xf32> to vector<256x128xf32>
    %add3A_32 = vector.broadcast %get3A_4 : vector<256x1xf32> to vector<256x128xf32>
    %add3A_33 = vector.broadcast %get3A_30 : vector<1x128xf32> to vector<256x128xf32>
    %add3A_34 = arith.addf %add3A_32, %add3A_33 : vector<256x128xf32>
    %add3A_35 = arith.addf %add3A_34, %slice3A_31 : vector<256x128xf32>
    %lt3A_36 = arith.cmpf olt, %add3A_35, %select_n3A : vector<256x128xf32>
    %select_n3A_37 = arith.select %lt3A_36, %add3A_35, %select_n3A : vector<256x128xi1>, vector<256x128xf32>
    %jit3A_38 = arith.constant 128 : i32
    %broadcast_in_dim3A_39 = vector.broadcast %jit3A_38 : i32 to vector<256x128xi32>
    %select_n3A_40 = arith.select %lt3A_36, %broadcast_in_dim3A_39, %select_n3A_27 : vector<256x128xi1>, vector<256x128xi32>
    %get3A_41 = arith.constant 0 : index
    %get3A_42 = arith.constant 256 : index
    %get3A_43 = vector.load %arg4[%get3A_41, %get3A_42] : memref<1x8192xf32, #tpu.memory_space<vmem>>, vector<1x128xf32>
    %slice3A_44 = vector.extract_strided_slice %dot_general3A_19 {offsets = [0, 256], sizes = [256, 128], strides = [1, 1]} : vector<256x2048xf32> to vector<256x128xf32>
    %add3A_45 = vector.broadcast %get3A_4 : vector<256x1xf32> to vector<256x128xf32>
    %add3A_46 = vector.broadcast %get3A_43 : vector<1x128xf32> to vector<256x128xf32>
    %add3A_47 = arith.addf %add3A_45, %add3A_46 : vector<256x128xf32>
    %add3A_48 = arith.addf %add3A_47, %slice3A_44 : vector<256x128xf32>
    %lt3A_49 = arith.cmpf olt, %add3A_48, %select_n3A_37 : vector<256x128xf32>
    %select_n3A_50 = arith.select %lt3A_49, %add3A_48, %select_n3A_37 : vector<256x128xi1>, vector<256x128xf32>
    %jit3A_51 = arith.constant 256 : i32
    %broadcast_in_dim3A_52 = vector.broadcast %jit3A_51 : i32 to vector<256x128xi32>
    %select_n3A_53 = arith.select %lt3A_49, %broadcast_in_dim3A_52, %select_n3A_40 : vector<256x128xi1>, vector<256x128xi32>
    %get3A_54 = arith.constant 0 : index
    %get3A_55 = arith.constant 384 : index
    %get3A_56 = vector.load %arg4[%get3A_54, %get3A_55] : memref<1x8192xf32, #tpu.memory_space<vmem>>, vector<1x128xf32>
    %slice3A_57 = vector.extract_strided_slice %dot_general3A_19 {offsets = [0, 384], sizes = [256, 128], strides = [1, 1]} : vector<256x2048xf32> to vector<256x128xf32>
    %add3A_58 = vector.broadcast %get3A_4 : vector<256x1xf32> to vector<256x128xf32>
    %add3A_59 = vector.broadcast %get3A_56 : vector<1x128xf32> to vector<256x128xf32>
    %add3A_60 = arith.addf %add3A_58, %add3A_59 : vector<256x128xf32>
    %add3A_61 = arith.addf %add3A_60, %slice3A_57 : vector<256x128xf32>
    %lt3A_62 = arith.cmpf olt, %add3A_61, %select_n3A_50 : vector<256x128xf32>
    %select_n3A_63 = arith.select %lt3A_62, %add3A_61, %select_n3A_50 : vector<256x128xi1>, vector<256x128xf32>
    %jit3A_64 = arith.constant 384 : i32
    %broadcast_in_dim3A_65 = vector.broadcast %jit3A_64 : i32 to vector<256x128xi32>
    %select_n3A_66 = arith.select %lt3A_62, %broadcast_in_dim3A_65, %select_n3A_53 : vector<256x128xi1>, vector<256x128xi32>
    %get3A_67 = arith.constant 0 : index
    %get3A_68 = arith.constant 512 : index
    %get3A_69 = vector.load %arg4[%get3A_67, %get3A_68] : memref<1x8192xf32, #tpu.memory_space<vmem>>, vector<1x128xf32>
    %slice3A_70 = vector.extract_strided_slice %dot_general3A_19 {offsets = [0, 512], sizes = [256, 128], strides = [1, 1]} : vector<256x2048xf32> to vector<256x128xf32>
    %add3A_71 = vector.broadcast %get3A_4 : vector<256x1xf32> to vector<256x128xf32>
    %add3A_72 = vector.broadcast %get3A_69 : vector<1x128xf32> to vector<256x128xf32>
    %add3A_73 = arith.addf %add3A_71, %add3A_72 : vector<256x128xf32>
    %add3A_74 = arith.addf %add3A_73, %slice3A_70 : vector<256x128xf32>
    %lt3A_75 = arith.cmpf olt, %add3A_74, %select_n3A_63 : vector<256x128xf32>
    %select_n3A_76 = arith.select %lt3A_75, %add3A_74, %select_n3A_63 : vector<256x128xi1>, vector<256x128xf32>
    %jit3A_77 = arith.constant 512 : i32
    %broadcast_in_dim3A_78 = vector.broadcast %jit3A_77 : i32 to vector<256x128xi32>
    %select_n3A_79 = arith.select %lt3A_75, %broadcast_in_dim3A_78, %select_n3A_66 : vector<256x128xi1>, vector<256x128xi32>
    %get3A_80 = arith.constant 0 : index
    %get3A_81 = arith.constant 640 : index
    %get3A_82 = vector.load %arg4[%get3A_80, %get3A_81] : memref<1x8192xf32, #tpu.memory_space<vmem>>, vector<1x128xf32>
    %slice3A_83 = vector.extract_strided_slice %dot_general3A_19 {offsets = [0, 640], sizes = [256, 128], strides = [1, 1]} : vector<256x2048xf32> to vector<256x128xf32>
    %add3A_84 = vector.broadcast %get3A_4 : vector<256x1xf32> to vector<256x128xf32>
    %add3A_85 = vector.broadcast %get3A_82 : vector<1x128xf32> to vector<256x128xf32>
    %add3A_86 = arith.addf %add3A_84, %add3A_85 : vector<256x128xf32>
    %add3A_87 = arith.addf %add3A_86, %slice3A_83 : vector<256x128xf32>
    %lt3A_88 = arith.cmpf olt, %add3A_87, %select_n3A_76 : vector<256x128xf32>
    %select_n3A_89 = arith.select %lt3A_88, %add3A_87, %select_n3A_76 : vector<256x128xi1>, vector<256x128xf32>
    %jit3A_90 = arith.constant 640 : i32
    %broadcast_in_dim3A_91 = vector.broadcast %jit3A_90 : i32 to vector<256x128xi32>
    %select_n3A_92 = arith.select %lt3A_88, %broadcast_in_dim3A_91, %select_n3A_79 : vector<256x128xi1>, vector<256x128xi32>
    %get3A_93 = arith.constant 0 : index
    %get3A_94 = arith.constant 768 : index
    %get3A_95 = vector.load %arg4[%get3A_93, %get3A_94] : memref<1x8192xf32, #tpu.memory_space<vmem>>, vector<1x128xf32>
    %slice3A_96 = vector.extract_strided_slice %dot_general3A_19 {offsets = [0, 768], sizes = [256, 128], strides = [1, 1]} : vector<256x2048xf32> to vector<256x128xf32>
    %add3A_97 = vector.broadcast %get3A_4 : vector<256x1xf32> to vector<256x128xf32>
    %add3A_98 = vector.broadcast %get3A_95 : vector<1x128xf32> to vector<256x128xf32>
    %add3A_99 = arith.addf %add3A_97, %add3A_98 : vector<256x128xf32>
    %add3A_100 = arith.addf %add3A_99, %slice3A_96 : vector<256x128xf32>
    %lt3A_101 = arith.cmpf olt, %add3A_100, %select_n3A_89 : vector<256x128xf32>
    %select_n3A_102 = arith.select %lt3A_101, %add3A_100, %select_n3A_89 : vector<256x128xi1>, vector<256x128xf32>
    %jit3A_103 = arith.constant 768 : i32
    %broadcast_in_dim3A_104 = vector.broadcast %jit3A_103 : i32 to vector<256x128xi32>
    %select_n3A_105 = arith.select %lt3A_101, %broadcast_in_dim3A_104, %select_n3A_92 : vector<256x128xi1>, vector<256x128xi32>
    %get3A_106 = arith.constant 0 : index
    %get3A_107 = arith.constant 896 : index
    %get3A_108 = vector.load %arg4[%get3A_106, %get3A_107] : memref<1x8192xf32, #tpu.memory_space<vmem>>, vector<1x128xf32>
    %slice3A_109 = vector.extract_strided_slice %dot_general3A_19 {offsets = [0, 896], sizes = [256, 128], strides = [1, 1]} : vector<256x2048xf32> to vector<256x128xf32>
    %add3A_110 = vector.broadcast %get3A_4 : vector<256x1xf32> to vector<256x128xf32>
    %add3A_111 = vector.broadcast %get3A_108 : vector<1x128xf32> to vector<256x128xf32>
    %add3A_112 = arith.addf %add3A_110, %add3A_111 : vector<256x128xf32>
    %add3A_113 = arith.addf %add3A_112, %slice3A_109 : vector<256x128xf32>
    %lt3A_114 = arith.cmpf olt, %add3A_113, %select_n3A_102 : vector<256x128xf32>
    %select_n3A_115 = arith.select %lt3A_114, %add3A_113, %select_n3A_102 : vector<256x128xi1>, vector<256x128xf32>
    %jit3A_116 = arith.constant 896 : i32
    %broadcast_in_dim3A_117 = vector.broadcast %jit3A_116 : i32 to vector<256x128xi32>
    %select_n3A_118 = arith.select %lt3A_114, %broadcast_in_dim3A_117, %select_n3A_105 : vector<256x128xi1>, vector<256x128xi32>
    %get3A_119 = arith.constant 0 : index
    %get3A_120 = arith.constant 1024 : index
    %get3A_121 = vector.load %arg4[%get3A_119, %get3A_120] : memref<1x8192xf32, #tpu.memory_space<vmem>>, vector<1x128xf32>
    %slice3A_122 = vector.extract_strided_slice %dot_general3A_19 {offsets = [0, 1024], sizes = [256, 128], strides = [1, 1]} : vector<256x2048xf32> to vector<256x128xf32>
    %add3A_123 = vector.broadcast %get3A_4 : vector<256x1xf32> to vector<256x128xf32>
    %add3A_124 = vector.broadcast %get3A_121 : vector<1x128xf32> to vector<256x128xf32>
    %add3A_125 = arith.addf %add3A_123, %add3A_124 : vector<256x128xf32>
    %add3A_126 = arith.addf %add3A_125, %slice3A_122 : vector<256x128xf32>
    %lt3A_127 = arith.cmpf olt, %add3A_126, %select_n3A_115 : vector<256x128xf32>
    %select_n3A_128 = arith.select %lt3A_127, %add3A_126, %select_n3A_115 : vector<256x128xi1>, vector<256x128xf32>
    %jit3A_129 = arith.constant 1024 : i32
    %broadcast_in_dim3A_130 = vector.broadcast %jit3A_129 : i32 to vector<256x128xi32>
    %select_n3A_131 = arith.select %lt3A_127, %broadcast_in_dim3A_130, %select_n3A_118 : vector<256x128xi1>, vector<256x128xi32>
    %get3A_132 = arith.constant 0 : index
    %get3A_133 = arith.constant 1152 : index
    %get3A_134 = vector.load %arg4[%get3A_132, %get3A_133] : memref<1x8192xf32, #tpu.memory_space<vmem>>, vector<1x128xf32>
    %slice3A_135 = vector.extract_strided_slice %dot_general3A_19 {offsets = [0, 1152], sizes = [256, 128], strides = [1, 1]} : vector<256x2048xf32> to vector<256x128xf32>
    %add3A_136 = vector.broadcast %get3A_4 : vector<256x1xf32> to vector<256x128xf32>
    %add3A_137 = vector.broadcast %get3A_134 : vector<1x128xf32> to vector<256x128xf32>
    %add3A_138 = arith.addf %add3A_136, %add3A_137 : vector<256x128xf32>
    %add3A_139 = arith.addf %add3A_138, %slice3A_135 : vector<256x128xf32>
    %lt3A_140 = arith.cmpf olt, %add3A_139, %select_n3A_128 : vector<256x128xf32>
    %select_n3A_141 = arith.select %lt3A_140, %add3A_139, %select_n3A_128 : vector<256x128xi1>, vector<256x128xf32>
    %jit3A_142 = arith.constant 1152 : i32
    %broadcast_in_dim3A_143 = vector.broadcast %jit3A_142 : i32 to vector<256x128xi32>
    %select_n3A_144 = arith.select %lt3A_140, %broadcast_in_dim3A_143, %select_n3A_131 : vector<256x128xi1>, vector<256x128xi32>
    %get3A_145 = arith.constant 0 : index
    %get3A_146 = arith.constant 1280 : index
    %get3A_147 = vector.load %arg4[%get3A_145, %get3A_146] : memref<1x8192xf32, #tpu.memory_space<vmem>>, vector<1x128xf32>
    %slice3A_148 = vector.extract_strided_slice %dot_general3A_19 {offsets = [0, 1280], sizes = [256, 128], strides = [1, 1]} : vector<256x2048xf32> to vector<256x128xf32>
    %add3A_149 = vector.broadcast %get3A_4 : vector<256x1xf32> to vector<256x128xf32>
    %add3A_150 = vector.broadcast %get3A_147 : vector<1x128xf32> to vector<256x128xf32>
    %add3A_151 = arith.addf %add3A_149, %add3A_150 : vector<256x128xf32>
    %add3A_152 = arith.addf %add3A_151, %slice3A_148 : vector<256x128xf32>
    %lt3A_153 = arith.cmpf olt, %add3A_152, %select_n3A_141 : vector<256x128xf32>
    %select_n3A_154 = arith.select %lt3A_153, %add3A_152, %select_n3A_141 : vector<256x128xi1>, vector<256x128xf32>
    %jit3A_155 = arith.constant 1280 : i32
    %broadcast_in_dim3A_156 = vector.broadcast %jit3A_155 : i32 to vector<256x128xi32>
    %select_n3A_157 = arith.select %lt3A_153, %broadcast_in_dim3A_156, %select_n3A_144 : vector<256x128xi1>, vector<256x128xi32>
    %get3A_158 = arith.constant 0 : index
    %get3A_159 = arith.constant 1408 : index
    %get3A_160 = vector.load %arg4[%get3A_158, %get3A_159] : memref<1x8192xf32, #tpu.memory_space<vmem>>, vector<1x128xf32>
    %slice3A_161 = vector.extract_strided_slice %dot_general3A_19 {offsets = [0, 1408], sizes = [256, 128], strides = [1, 1]} : vector<256x2048xf32> to vector<256x128xf32>
    %add3A_162 = vector.broadcast %get3A_4 : vector<256x1xf32> to vector<256x128xf32>
    %add3A_163 = vector.broadcast %get3A_160 : vector<1x128xf32> to vector<256x128xf32>
    %add3A_164 = arith.addf %add3A_162, %add3A_163 : vector<256x128xf32>
    %add3A_165 = arith.addf %add3A_164, %slice3A_161 : vector<256x128xf32>
    %lt3A_166 = arith.cmpf olt, %add3A_165, %select_n3A_154 : vector<256x128xf32>
    %select_n3A_167 = arith.select %lt3A_166, %add3A_165, %select_n3A_154 : vector<256x128xi1>, vector<256x128xf32>
    %jit3A_168 = arith.constant 1408 : i32
    %broadcast_in_dim3A_169 = vector.broadcast %jit3A_168 : i32 to vector<256x128xi32>
    %select_n3A_170 = arith.select %lt3A_166, %broadcast_in_dim3A_169, %select_n3A_157 : vector<256x128xi1>, vector<256x128xi32>
    %get3A_171 = arith.constant 0 : index
    %get3A_172 = arith.constant 1536 : index
    %get3A_173 = vector.load %arg4[%get3A_171, %get3A_172] : memref<1x8192xf32, #tpu.memory_space<vmem>>, vector<1x128xf32>
    %slice3A_174 = vector.extract_strided_slice %dot_general3A_19 {offsets = [0, 1536], sizes = [256, 128], strides = [1, 1]} : vector<256x2048xf32> to vector<256x128xf32>
    %add3A_175 = vector.broadcast %get3A_4 : vector<256x1xf32> to vector<256x128xf32>
    %add3A_176 = vector.broadcast %get3A_173 : vector<1x128xf32> to vector<256x128xf32>
    %add3A_177 = arith.addf %add3A_175, %add3A_176 : vector<256x128xf32>
    %add3A_178 = arith.addf %add3A_177, %slice3A_174 : vector<256x128xf32>
    %lt3A_179 = arith.cmpf olt, %add3A_178, %select_n3A_167 : vector<256x128xf32>
    %select_n3A_180 = arith.select %lt3A_179, %add3A_178, %select_n3A_167 : vector<256x128xi1>, vector<256x128xf32>
    %jit3A_181 = arith.constant 1536 : i32
    %broadcast_in_dim3A_182 = vector.broadcast %jit3A_181 : i32 to vector<256x128xi32>
    %select_n3A_183 = arith.select %lt3A_179, %broadcast_in_dim3A_182, %select_n3A_170 : vector<256x128xi1>, vector<256x128xi32>
    %get3A_184 = arith.constant 0 : index
    %get3A_185 = arith.constant 1664 : index
    %get3A_186 = vector.load %arg4[%get3A_184, %get3A_185] : memref<1x8192xf32, #tpu.memory_space<vmem>>, vector<1x128xf32>
    %slice3A_187 = vector.extract_strided_slice %dot_general3A_19 {offsets = [0, 1664], sizes = [256, 128], strides = [1, 1]} : vector<256x2048xf32> to vector<256x128xf32>
    %add3A_188 = vector.broadcast %get3A_4 : vector<256x1xf32> to vector<256x128xf32>
    %add3A_189 = vector.broadcast %get3A_186 : vector<1x128xf32> to vector<256x128xf32>
    %add3A_190 = arith.addf %add3A_188, %add3A_189 : vector<256x128xf32>
    %add3A_191 = arith.addf %add3A_190, %slice3A_187 : vector<256x128xf32>
    %lt3A_192 = arith.cmpf olt, %add3A_191, %select_n3A_180 : vector<256x128xf32>
    %select_n3A_193 = arith.select %lt3A_192, %add3A_191, %select_n3A_180 : vector<256x128xi1>, vector<256x128xf32>
    %jit3A_194 = arith.constant 1664 : i32
    %broadcast_in_dim3A_195 = vector.broadcast %jit3A_194 : i32 to vector<256x128xi32>
    %select_n3A_196 = arith.select %lt3A_192, %broadcast_in_dim3A_195, %select_n3A_183 : vector<256x128xi1>, vector<256x128xi32>
    %get3A_197 = arith.constant 0 : index
    %get3A_198 = arith.constant 1792 : index
    %get3A_199 = vector.load %arg4[%get3A_197, %get3A_198] : memref<1x8192xf32, #tpu.memory_space<vmem>>, vector<1x128xf32>
    %slice3A_200 = vector.extract_strided_slice %dot_general3A_19 {offsets = [0, 1792], sizes = [256, 128], strides = [1, 1]} : vector<256x2048xf32> to vector<256x128xf32>
    %add3A_201 = vector.broadcast %get3A_4 : vector<256x1xf32> to vector<256x128xf32>
    %add3A_202 = vector.broadcast %get3A_199 : vector<1x128xf32> to vector<256x128xf32>
    %add3A_203 = arith.addf %add3A_201, %add3A_202 : vector<256x128xf32>
    %add3A_204 = arith.addf %add3A_203, %slice3A_200 : vector<256x128xf32>
    %lt3A_205 = arith.cmpf olt, %add3A_204, %select_n3A_193 : vector<256x128xf32>
    %select_n3A_206 = arith.select %lt3A_205, %add3A_204, %select_n3A_193 : vector<256x128xi1>, vector<256x128xf32>
    %jit3A_207 = arith.constant 1792 : i32
    %broadcast_in_dim3A_208 = vector.broadcast %jit3A_207 : i32 to vector<256x128xi32>
    %select_n3A_209 = arith.select %lt3A_205, %broadcast_in_dim3A_208, %select_n3A_196 : vector<256x128xi1>, vector<256x128xi32>
    %get3A_210 = arith.constant 0 : index
    %get3A_211 = arith.constant 1920 : index
    %get3A_212 = vector.load %arg4[%get3A_210, %get3A_211] : memref<1x8192xf32, #tpu.memory_space<vmem>>, vector<1x128xf32>
    %slice3A_213 = vector.extract_strided_slice %dot_general3A_19 {offsets = [0, 1920], sizes = [256, 128], strides = [1, 1]} : vector<256x2048xf32> to vector<256x128xf32>
    %add3A_214 = vector.broadcast %get3A_4 : vector<256x1xf32> to vector<256x128xf32>
    %add3A_215 = vector.broadcast %get3A_212 : vector<1x128xf32> to vector<256x128xf32>
    %add3A_216 = arith.addf %add3A_214, %add3A_215 : vector<256x128xf32>
    %add3A_217 = arith.addf %add3A_216, %slice3A_213 : vector<256x128xf32>
    %lt3A_218 = arith.cmpf olt, %add3A_217, %select_n3A_206 : vector<256x128xf32>
    %select_n3A_219 = arith.select %lt3A_218, %add3A_217, %select_n3A_206 : vector<256x128xi1>, vector<256x128xf32>
    %jit3A_220 = arith.constant 1920 : i32
    %broadcast_in_dim3A_221 = vector.broadcast %jit3A_220 : i32 to vector<256x128xi32>
    %select_n3A_222 = arith.select %lt3A_218, %broadcast_in_dim3A_221, %select_n3A_209 : vector<256x128xi1>, vector<256x128xi32>
    %get3A_223 = arith.constant 2048 : index
    %get3A_224 = arith.constant 0 : index
    %get3A_225 = vector.load %arg3[%get3A_223, %get3A_224] : memref<8192x256xbf16, #tpu.memory_space<vmem>>, vector<2048x256xbf16>
    %dot_general3A_226 = arith.constant dense<0.000000e+00> : vector<256x2048xf32>
    %dot_general3A_227 = tpu.matmul %convert_element_type3A, %get3A_225, %dot_general3A_226 {dimension_numbers = #tpu.dot_dimension_numbers<[1], [1], [0], [0], [0, 0, 1, 0], [], []>, transpose_lhs_hint = false} : vector<256x256xbf16>, vector<2048x256xbf16>, vector<256x2048xf32> -> vector<256x2048xf32>
    %get3A_228 = arith.constant 0 : index
    %get3A_229 = arith.constant 2048 : index
    %get3A_230 = vector.load %arg4[%get3A_228, %get3A_229] : memref<1x8192xf32, #tpu.memory_space<vmem>>, vector<1x128xf32>
    %slice3A_231 = vector.extract_strided_slice %dot_general3A_227 {offsets = [0, 0], sizes = [256, 128], strides = [1, 1]} : vector<256x2048xf32> to vector<256x128xf32>
    %add3A_232 = vector.broadcast %get3A_4 : vector<256x1xf32> to vector<256x128xf32>
    %add3A_233 = vector.broadcast %get3A_230 : vector<1x128xf32> to vector<256x128xf32>
    %add3A_234 = arith.addf %add3A_232, %add3A_233 : vector<256x128xf32>
    %add3A_235 = arith.addf %add3A_234, %slice3A_231 : vector<256x128xf32>
    %lt3A_236 = arith.cmpf olt, %add3A_235, %select_n3A_219 : vector<256x128xf32>
    %select_n3A_237 = arith.select %lt3A_236, %add3A_235, %select_n3A_219 : vector<256x128xi1>, vector<256x128xf32>
    %jit3A_238 = arith.constant 2048 : i32
    %broadcast_in_dim3A_239 = vector.broadcast %jit3A_238 : i32 to vector<256x128xi32>
    %select_n3A_240 = arith.select %lt3A_236, %broadcast_in_dim3A_239, %select_n3A_222 : vector<256x128xi1>, vector<256x128xi32>
    %get3A_241 = arith.constant 0 : index
    %get3A_242 = arith.constant 2176 : index
    %get3A_243 = vector.load %arg4[%get3A_241, %get3A_242] : memref<1x8192xf32, #tpu.memory_space<vmem>>, vector<1x128xf32>
    %slice3A_244 = vector.extract_strided_slice %dot_general3A_227 {offsets = [0, 128], sizes = [256, 128], strides = [1, 1]} : vector<256x2048xf32> to vector<256x128xf32>
    %add3A_245 = vector.broadcast %get3A_4 : vector<256x1xf32> to vector<256x128xf32>
    %add3A_246 = vector.broadcast %get3A_243 : vector<1x128xf32> to vector<256x128xf32>
    %add3A_247 = arith.addf %add3A_245, %add3A_246 : vector<256x128xf32>
    %add3A_248 = arith.addf %add3A_247, %slice3A_244 : vector<256x128xf32>
    %lt3A_249 = arith.cmpf olt, %add3A_248, %select_n3A_237 : vector<256x128xf32>
    %select_n3A_250 = arith.select %lt3A_249, %add3A_248, %select_n3A_237 : vector<256x128xi1>, vector<256x128xf32>
    %jit3A_251 = arith.constant 2176 : i32
    %broadcast_in_dim3A_252 = vector.broadcast %jit3A_251 : i32 to vector<256x128xi32>
    %select_n3A_253 = arith.select %lt3A_249, %broadcast_in_dim3A_252, %select_n3A_240 : vector<256x128xi1>, vector<256x128xi32>
    %get3A_254 = arith.constant 0 : index
    %get3A_255 = arith.constant 2304 : index
    %get3A_256 = vector.load %arg4[%get3A_254, %get3A_255] : memref<1x8192xf32, #tpu.memory_space<vmem>>, vector<1x128xf32>
    %slice3A_257 = vector.extract_strided_slice %dot_general3A_227 {offsets = [0, 256], sizes = [256, 128], strides = [1, 1]} : vector<256x2048xf32> to vector<256x128xf32>
    %add3A_258 = vector.broadcast %get3A_4 : vector<256x1xf32> to vector<256x128xf32>
    %add3A_259 = vector.broadcast %get3A_256 : vector<1x128xf32> to vector<256x128xf32>
    %add3A_260 = arith.addf %add3A_258, %add3A_259 : vector<256x128xf32>
    %add3A_261 = arith.addf %add3A_260, %slice3A_257 : vector<256x128xf32>
    %lt3A_262 = arith.cmpf olt, %add3A_261, %select_n3A_250 : vector<256x128xf32>
    %select_n3A_263 = arith.select %lt3A_262, %add3A_261, %select_n3A_250 : vector<256x128xi1>, vector<256x128xf32>
    %jit3A_264 = arith.constant 2304 : i32
    %broadcast_in_dim3A_265 = vector.broadcast %jit3A_264 : i32 to vector<256x128xi32>
    %select_n3A_266 = arith.select %lt3A_262, %broadcast_in_dim3A_265, %select_n3A_253 : vector<256x128xi1>, vector<256x128xi32>
    %get3A_267 = arith.constant 0 : index
    %get3A_268 = arith.constant 2432 : index
    %get3A_269 = vector.load %arg4[%get3A_267, %get3A_268] : memref<1x8192xf32, #tpu.memory_space<vmem>>, vector<1x128xf32>
    %slice3A_270 = vector.extract_strided_slice %dot_general3A_227 {offsets = [0, 384], sizes = [256, 128], strides = [1, 1]} : vector<256x2048xf32> to vector<256x128xf32>
    %add3A_271 = vector.broadcast %get3A_4 : vector<256x1xf32> to vector<256x128xf32>
    %add3A_272 = vector.broadcast %get3A_269 : vector<1x128xf32> to vector<256x128xf32>
    %add3A_273 = arith.addf %add3A_271, %add3A_272 : vector<256x128xf32>
    %add3A_274 = arith.addf %add3A_273, %slice3A_270 : vector<256x128xf32>
    %lt3A_275 = arith.cmpf olt, %add3A_274, %select_n3A_263 : vector<256x128xf32>
    %select_n3A_276 = arith.select %lt3A_275, %add3A_274, %select_n3A_263 : vector<256x128xi1>, vector<256x128xf32>
    %jit3A_277 = arith.constant 2432 : i32
    %broadcast_in_dim3A_278 = vector.broadcast %jit3A_277 : i32 to vector<256x128xi32>
    %select_n3A_279 = arith.select %lt3A_275, %broadcast_in_dim3A_278, %select_n3A_266 : vector<256x128xi1>, vector<256x128xi32>
    %get3A_280 = arith.constant 0 : index
    %get3A_281 = arith.constant 2560 : index
    %get3A_282 = vector.load %arg4[%get3A_280, %get3A_281] : memref<1x8192xf32, #tpu.memory_space<vmem>>, vector<1x128xf32>
    %slice3A_283 = vector.extract_strided_slice %dot_general3A_227 {offsets = [0, 512], sizes = [256, 128], strides = [1, 1]} : vector<256x2048xf32> to vector<256x128xf32>
    %add3A_284 = vector.broadcast %get3A_4 : vector<256x1xf32> to vector<256x128xf32>
    %add3A_285 = vector.broadcast %get3A_282 : vector<1x128xf32> to vector<256x128xf32>
    %add3A_286 = arith.addf %add3A_284, %add3A_285 : vector<256x128xf32>
    %add3A_287 = arith.addf %add3A_286, %slice3A_283 : vector<256x128xf32>
    %lt3A_288 = arith.cmpf olt, %add3A_287, %select_n3A_276 : vector<256x128xf32>
    %select_n3A_289 = arith.select %lt3A_288, %add3A_287, %select_n3A_276 : vector<256x128xi1>, vector<256x128xf32>
    %jit3A_290 = arith.constant 2560 : i32
    %broadcast_in_dim3A_291 = vector.broadcast %jit3A_290 : i32 to vector<256x128xi32>
    %select_n3A_292 = arith.select %lt3A_288, %broadcast_in_dim3A_291, %select_n3A_279 : vector<256x128xi1>, vector<256x128xi32>
    %get3A_293 = arith.constant 0 : index
    %get3A_294 = arith.constant 2688 : index
    %get3A_295 = vector.load %arg4[%get3A_293, %get3A_294] : memref<1x8192xf32, #tpu.memory_space<vmem>>, vector<1x128xf32>
    %slice3A_296 = vector.extract_strided_slice %dot_general3A_227 {offsets = [0, 640], sizes = [256, 128], strides = [1, 1]} : vector<256x2048xf32> to vector<256x128xf32>
    %add3A_297 = vector.broadcast %get3A_4 : vector<256x1xf32> to vector<256x128xf32>
    %add3A_298 = vector.broadcast %get3A_295 : vector<1x128xf32> to vector<256x128xf32>
    %add3A_299 = arith.addf %add3A_297, %add3A_298 : vector<256x128xf32>
    %add3A_300 = arith.addf %add3A_299, %slice3A_296 : vector<256x128xf32>
    %lt3A_301 = arith.cmpf olt, %add3A_300, %select_n3A_289 : vector<256x128xf32>
    %lt3A_302 = arith.constant 48 : i32
    %lt3A_303 = vector.broadcast %lt3A_302 : i32 to vector<256x128xi32>
    %lt3A_304 = arith.cmpi slt, %iota3A, %lt3A_303 : vector<256x128xi32>
    %and3A = arith.andi %lt3A_301, %lt3A_304 : vector<256x128xi1>
    %select_n3A_305 = arith.select %and3A, %add3A_300, %select_n3A_289 : vector<256x128xi1>, vector<256x128xf32>
    %jit3A_306 = arith.constant 2688 : i32
    %broadcast_in_dim3A_307 = vector.broadcast %jit3A_306 : i32 to vector<256x128xi32>
    %select_n3A_308 = arith.select %and3A, %broadcast_in_dim3A_307, %select_n3A_292 : vector<256x128xi1>, vector<256x128xi32>
    %lt3A_309 = arith.cmpf olt, %add3A_300, %broadcast_in_dim3A_7 : vector<256x128xf32>
    %ge3A = arith.constant 48 : i32
    %ge3A_310 = vector.broadcast %ge3A : i32 to vector<256x128xi32>
    %ge3A_311 = arith.cmpi sge, %iota3A, %ge3A_310 : vector<256x128xi32>
    %and3A_312 = arith.andi %lt3A_309, %ge3A_311 : vector<256x128xi1>
    %select_n3A_313 = arith.select %and3A_312, %add3A_300, %broadcast_in_dim3A_7 : vector<256x128xi1>, vector<256x128xf32>
    %jit3A_314 = arith.constant 2688 : i32
    %broadcast_in_dim3A_315 = vector.broadcast %jit3A_314 : i32 to vector<256x128xi32>
    %select_n3A_316 = arith.select %and3A_312, %broadcast_in_dim3A_315, %broadcast_in_dim3A_13 : vector<256x128xi1>, vector<256x128xi32>
    %get3A_317 = arith.constant 0 : index
    %get3A_318 = arith.constant 2816 : index
    %get3A_319 = vector.load %arg4[%get3A_317, %get3A_318] : memref<1x8192xf32, #tpu.memory_space<vmem>>, vector<1x128xf32>
    %slice3A_320 = vector.extract_strided_slice %dot_general3A_227 {offsets = [0, 768], sizes = [256, 128], strides = [1, 1]} : vector<256x2048xf32> to vector<256x128xf32>
    %add3A_321 = vector.broadcast %get3A_4 : vector<256x1xf32> to vector<256x128xf32>
    %add3A_322 = vector.broadcast %get3A_319 : vector<1x128xf32> to vector<256x128xf32>
    %add3A_323 = arith.addf %add3A_321, %add3A_322 : vector<256x128xf32>
    %add3A_324 = arith.addf %add3A_323, %slice3A_320 : vector<256x128xf32>
    %lt3A_325 = arith.cmpf olt, %add3A_324, %select_n3A_313 : vector<256x128xf32>
    %select_n3A_326 = arith.select %lt3A_325, %add3A_324, %select_n3A_313 : vector<256x128xi1>, vector<256x128xf32>
    %jit3A_327 = arith.constant 2816 : i32
    %broadcast_in_dim3A_328 = vector.broadcast %jit3A_327 : i32 to vector<256x128xi32>
    %select_n3A_329 = arith.select %lt3A_325, %broadcast_in_dim3A_328, %select_n3A_316 : vector<256x128xi1>, vector<256x128xi32>
    %get3A_330 = arith.constant 0 : index
    %get3A_331 = arith.constant 2944 : index
    %get3A_332 = vector.load %arg4[%get3A_330, %get3A_331] : memref<1x8192xf32, #tpu.memory_space<vmem>>, vector<1x128xf32>
    %slice3A_333 = vector.extract_strided_slice %dot_general3A_227 {offsets = [0, 896], sizes = [256, 128], strides = [1, 1]} : vector<256x2048xf32> to vector<256x128xf32>
    %add3A_334 = vector.broadcast %get3A_4 : vector<256x1xf32> to vector<256x128xf32>
    %add3A_335 = vector.broadcast %get3A_332 : vector<1x128xf32> to vector<256x128xf32>
    %add3A_336 = arith.addf %add3A_334, %add3A_335 : vector<256x128xf32>
    %add3A_337 = arith.addf %add3A_336, %slice3A_333 : vector<256x128xf32>
    %lt3A_338 = arith.cmpf olt, %add3A_337, %select_n3A_326 : vector<256x128xf32>
    %select_n3A_339 = arith.select %lt3A_338, %add3A_337, %select_n3A_326 : vector<256x128xi1>, vector<256x128xf32>
    %jit3A_340 = arith.constant 2944 : i32
    %broadcast_in_dim3A_341 = vector.broadcast %jit3A_340 : i32 to vector<256x128xi32>
    %select_n3A_342 = arith.select %lt3A_338, %broadcast_in_dim3A_341, %select_n3A_329 : vector<256x128xi1>, vector<256x128xi32>
    %get3A_343 = arith.constant 0 : index
    %get3A_344 = arith.constant 3072 : index
    %get3A_345 = vector.load %arg4[%get3A_343, %get3A_344] : memref<1x8192xf32, #tpu.memory_space<vmem>>, vector<1x128xf32>
    %slice3A_346 = vector.extract_strided_slice %dot_general3A_227 {offsets = [0, 1024], sizes = [256, 128], strides = [1, 1]} : vector<256x2048xf32> to vector<256x128xf32>
    %add3A_347 = vector.broadcast %get3A_4 : vector<256x1xf32> to vector<256x128xf32>
    %add3A_348 = vector.broadcast %get3A_345 : vector<1x128xf32> to vector<256x128xf32>
    %add3A_349 = arith.addf %add3A_347, %add3A_348 : vector<256x128xf32>
    %add3A_350 = arith.addf %add3A_349, %slice3A_346 : vector<256x128xf32>
    %lt3A_351 = arith.cmpf olt, %add3A_350, %select_n3A_339 : vector<256x128xf32>
    %select_n3A_352 = arith.select %lt3A_351, %add3A_350, %select_n3A_339 : vector<256x128xi1>, vector<256x128xf32>
    %jit3A_353 = arith.constant 3072 : i32
    %broadcast_in_dim3A_354 = vector.broadcast %jit3A_353 : i32 to vector<256x128xi32>
    %select_n3A_355 = arith.select %lt3A_351, %broadcast_in_dim3A_354, %select_n3A_342 : vector<256x128xi1>, vector<256x128xi32>
    %get3A_356 = arith.constant 0 : index
    %get3A_357 = arith.constant 3200 : index
    %get3A_358 = vector.load %arg4[%get3A_356, %get3A_357] : memref<1x8192xf32, #tpu.memory_space<vmem>>, vector<1x128xf32>
    %slice3A_359 = vector.extract_strided_slice %dot_general3A_227 {offsets = [0, 1152], sizes = [256, 128], strides = [1, 1]} : vector<256x2048xf32> to vector<256x128xf32>
    %add3A_360 = vector.broadcast %get3A_4 : vector<256x1xf32> to vector<256x128xf32>
    %add3A_361 = vector.broadcast %get3A_358 : vector<1x128xf32> to vector<256x128xf32>
    %add3A_362 = arith.addf %add3A_360, %add3A_361 : vector<256x128xf32>
    %add3A_363 = arith.addf %add3A_362, %slice3A_359 : vector<256x128xf32>
    %lt3A_364 = arith.cmpf olt, %add3A_363, %select_n3A_352 : vector<256x128xf32>
    %select_n3A_365 = arith.select %lt3A_364, %add3A_363, %select_n3A_352 : vector<256x128xi1>, vector<256x128xf32>
    %jit3A_366 = arith.constant 3200 : i32
    %broadcast_in_dim3A_367 = vector.broadcast %jit3A_366 : i32 to vector<256x128xi32>
    %select_n3A_368 = arith.select %lt3A_364, %broadcast_in_dim3A_367, %select_n3A_355 : vector<256x128xi1>, vector<256x128xi32>
    %get3A_369 = arith.constant 0 : index
    %get3A_370 = arith.constant 3328 : index
    %get3A_371 = vector.load %arg4[%get3A_369, %get3A_370] : memref<1x8192xf32, #tpu.memory_space<vmem>>, vector<1x128xf32>
    %slice3A_372 = vector.extract_strided_slice %dot_general3A_227 {offsets = [0, 1280], sizes = [256, 128], strides = [1, 1]} : vector<256x2048xf32> to vector<256x128xf32>
    %add3A_373 = vector.broadcast %get3A_4 : vector<256x1xf32> to vector<256x128xf32>
    %add3A_374 = vector.broadcast %get3A_371 : vector<1x128xf32> to vector<256x128xf32>
    %add3A_375 = arith.addf %add3A_373, %add3A_374 : vector<256x128xf32>
    %add3A_376 = arith.addf %add3A_375, %slice3A_372 : vector<256x128xf32>
    %lt3A_377 = arith.cmpf olt, %add3A_376, %select_n3A_365 : vector<256x128xf32>
    %select_n3A_378 = arith.select %lt3A_377, %add3A_376, %select_n3A_365 : vector<256x128xi1>, vector<256x128xf32>
    %jit3A_379 = arith.constant 3328 : i32
    %broadcast_in_dim3A_380 = vector.broadcast %jit3A_379 : i32 to vector<256x128xi32>
    %select_n3A_381 = arith.select %lt3A_377, %broadcast_in_dim3A_380, %select_n3A_368 : vector<256x128xi1>, vector<256x128xi32>
    %get3A_382 = arith.constant 0 : index
    %get3A_383 = arith.constant 3456 : index
    %get3A_384 = vector.load %arg4[%get3A_382, %get3A_383] : memref<1x8192xf32, #tpu.memory_space<vmem>>, vector<1x128xf32>
    %slice3A_385 = vector.extract_strided_slice %dot_general3A_227 {offsets = [0, 1408], sizes = [256, 128], strides = [1, 1]} : vector<256x2048xf32> to vector<256x128xf32>
    %add3A_386 = vector.broadcast %get3A_4 : vector<256x1xf32> to vector<256x128xf32>
    %add3A_387 = vector.broadcast %get3A_384 : vector<1x128xf32> to vector<256x128xf32>
    %add3A_388 = arith.addf %add3A_386, %add3A_387 : vector<256x128xf32>
    %add3A_389 = arith.addf %add3A_388, %slice3A_385 : vector<256x128xf32>
    %lt3A_390 = arith.cmpf olt, %add3A_389, %select_n3A_378 : vector<256x128xf32>
    %select_n3A_391 = arith.select %lt3A_390, %add3A_389, %select_n3A_378 : vector<256x128xi1>, vector<256x128xf32>
    %jit3A_392 = arith.constant 3456 : i32
    %broadcast_in_dim3A_393 = vector.broadcast %jit3A_392 : i32 to vector<256x128xi32>
    %select_n3A_394 = arith.select %lt3A_390, %broadcast_in_dim3A_393, %select_n3A_381 : vector<256x128xi1>, vector<256x128xi32>
    %get3A_395 = arith.constant 0 : index
    %get3A_396 = arith.constant 3584 : index
    %get3A_397 = vector.load %arg4[%get3A_395, %get3A_396] : memref<1x8192xf32, #tpu.memory_space<vmem>>, vector<1x128xf32>
    %slice3A_398 = vector.extract_strided_slice %dot_general3A_227 {offsets = [0, 1536], sizes = [256, 128], strides = [1, 1]} : vector<256x2048xf32> to vector<256x128xf32>
    %add3A_399 = vector.broadcast %get3A_4 : vector<256x1xf32> to vector<256x128xf32>
    %add3A_400 = vector.broadcast %get3A_397 : vector<1x128xf32> to vector<256x128xf32>
    %add3A_401 = arith.addf %add3A_399, %add3A_400 : vector<256x128xf32>
    %add3A_402 = arith.addf %add3A_401, %slice3A_398 : vector<256x128xf32>
    %lt3A_403 = arith.cmpf olt, %add3A_402, %select_n3A_391 : vector<256x128xf32>
    %select_n3A_404 = arith.select %lt3A_403, %add3A_402, %select_n3A_391 : vector<256x128xi1>, vector<256x128xf32>
    %jit3A_405 = arith.constant 3584 : i32
    %broadcast_in_dim3A_406 = vector.broadcast %jit3A_405 : i32 to vector<256x128xi32>
    %select_n3A_407 = arith.select %lt3A_403, %broadcast_in_dim3A_406, %select_n3A_394 : vector<256x128xi1>, vector<256x128xi32>
    %get3A_408 = arith.constant 0 : index
    %get3A_409 = arith.constant 3712 : index
    %get3A_410 = vector.load %arg4[%get3A_408, %get3A_409] : memref<1x8192xf32, #tpu.memory_space<vmem>>, vector<1x128xf32>
    %slice3A_411 = vector.extract_strided_slice %dot_general3A_227 {offsets = [0, 1664], sizes = [256, 128], strides = [1, 1]} : vector<256x2048xf32> to vector<256x128xf32>
    %add3A_412 = vector.broadcast %get3A_4 : vector<256x1xf32> to vector<256x128xf32>
    %add3A_413 = vector.broadcast %get3A_410 : vector<1x128xf32> to vector<256x128xf32>
    %add3A_414 = arith.addf %add3A_412, %add3A_413 : vector<256x128xf32>
    %add3A_415 = arith.addf %add3A_414, %slice3A_411 : vector<256x128xf32>
    %lt3A_416 = arith.cmpf olt, %add3A_415, %select_n3A_404 : vector<256x128xf32>
    %select_n3A_417 = arith.select %lt3A_416, %add3A_415, %select_n3A_404 : vector<256x128xi1>, vector<256x128xf32>
    %jit3A_418 = arith.constant 3712 : i32
    %broadcast_in_dim3A_419 = vector.broadcast %jit3A_418 : i32 to vector<256x128xi32>
    %select_n3A_420 = arith.select %lt3A_416, %broadcast_in_dim3A_419, %select_n3A_407 : vector<256x128xi1>, vector<256x128xi32>
    %get3A_421 = arith.constant 0 : index
    %get3A_422 = arith.constant 3840 : index
    %get3A_423 = vector.load %arg4[%get3A_421, %get3A_422] : memref<1x8192xf32, #tpu.memory_space<vmem>>, vector<1x128xf32>
    %slice3A_424 = vector.extract_strided_slice %dot_general3A_227 {offsets = [0, 1792], sizes = [256, 128], strides = [1, 1]} : vector<256x2048xf32> to vector<256x128xf32>
    %add3A_425 = vector.broadcast %get3A_4 : vector<256x1xf32> to vector<256x128xf32>
    %add3A_426 = vector.broadcast %get3A_423 : vector<1x128xf32> to vector<256x128xf32>
    %add3A_427 = arith.addf %add3A_425, %add3A_426 : vector<256x128xf32>
    %add3A_428 = arith.addf %add3A_427, %slice3A_424 : vector<256x128xf32>
    %lt3A_429 = arith.cmpf olt, %add3A_428, %select_n3A_417 : vector<256x128xf32>
    %select_n3A_430 = arith.select %lt3A_429, %add3A_428, %select_n3A_417 : vector<256x128xi1>, vector<256x128xf32>
    %jit3A_431 = arith.constant 3840 : i32
    %broadcast_in_dim3A_432 = vector.broadcast %jit3A_431 : i32 to vector<256x128xi32>
    %select_n3A_433 = arith.select %lt3A_429, %broadcast_in_dim3A_432, %select_n3A_420 : vector<256x128xi1>, vector<256x128xi32>
    %get3A_434 = arith.constant 0 : index
    %get3A_435 = arith.constant 3968 : index
    %get3A_436 = vector.load %arg4[%get3A_434, %get3A_435] : memref<1x8192xf32, #tpu.memory_space<vmem>>, vector<1x128xf32>
    %slice3A_437 = vector.extract_strided_slice %dot_general3A_227 {offsets = [0, 1920], sizes = [256, 128], strides = [1, 1]} : vector<256x2048xf32> to vector<256x128xf32>
    %add3A_438 = vector.broadcast %get3A_4 : vector<256x1xf32> to vector<256x128xf32>
    %add3A_439 = vector.broadcast %get3A_436 : vector<1x128xf32> to vector<256x128xf32>
    %add3A_440 = arith.addf %add3A_438, %add3A_439 : vector<256x128xf32>
    %add3A_441 = arith.addf %add3A_440, %slice3A_437 : vector<256x128xf32>
    %lt3A_442 = arith.cmpf olt, %add3A_441, %select_n3A_430 : vector<256x128xf32>
    %select_n3A_443 = arith.select %lt3A_442, %add3A_441, %select_n3A_430 : vector<256x128xi1>, vector<256x128xf32>
    %jit3A_444 = arith.constant 3968 : i32
    %broadcast_in_dim3A_445 = vector.broadcast %jit3A_444 : i32 to vector<256x128xi32>
    %select_n3A_446 = arith.select %lt3A_442, %broadcast_in_dim3A_445, %select_n3A_433 : vector<256x128xi1>, vector<256x128xi32>
    %get3A_447 = arith.constant 4096 : index
    %get3A_448 = arith.constant 0 : index
    %get3A_449 = vector.load %arg3[%get3A_447, %get3A_448] : memref<8192x256xbf16, #tpu.memory_space<vmem>>, vector<2048x256xbf16>
    %dot_general3A_450 = arith.constant dense<0.000000e+00> : vector<256x2048xf32>
    %dot_general3A_451 = tpu.matmul %convert_element_type3A, %get3A_449, %dot_general3A_450 {dimension_numbers = #tpu.dot_dimension_numbers<[1], [1], [0], [0], [0, 0, 1, 0], [], []>, transpose_lhs_hint = false} : vector<256x256xbf16>, vector<2048x256xbf16>, vector<256x2048xf32> -> vector<256x2048xf32>
    %get3A_452 = arith.constant 0 : index
    %get3A_453 = arith.constant 4096 : index
    %get3A_454 = vector.load %arg4[%get3A_452, %get3A_453] : memref<1x8192xf32, #tpu.memory_space<vmem>>, vector<1x128xf32>
    %slice3A_455 = vector.extract_strided_slice %dot_general3A_451 {offsets = [0, 0], sizes = [256, 128], strides = [1, 1]} : vector<256x2048xf32> to vector<256x128xf32>
    %add3A_456 = vector.broadcast %get3A_4 : vector<256x1xf32> to vector<256x128xf32>
    %add3A_457 = vector.broadcast %get3A_454 : vector<1x128xf32> to vector<256x128xf32>
    %add3A_458 = arith.addf %add3A_456, %add3A_457 : vector<256x128xf32>
    %add3A_459 = arith.addf %add3A_458, %slice3A_455 : vector<256x128xf32>
    %lt3A_460 = arith.cmpf olt, %add3A_459, %select_n3A_443 : vector<256x128xf32>
    %select_n3A_461 = arith.select %lt3A_460, %add3A_459, %select_n3A_443 : vector<256x128xi1>, vector<256x128xf32>
    %jit3A_462 = arith.constant 4096 : i32
    %broadcast_in_dim3A_463 = vector.broadcast %jit3A_462 : i32 to vector<256x128xi32>
    %select_n3A_464 = arith.select %lt3A_460, %broadcast_in_dim3A_463, %select_n3A_446 : vector<256x128xi1>, vector<256x128xi32>
    %get3A_465 = arith.constant 0 : index
    %get3A_466 = arith.constant 4224 : index
    %get3A_467 = vector.load %arg4[%get3A_465, %get3A_466] : memref<1x8192xf32, #tpu.memory_space<vmem>>, vector<1x128xf32>
    %slice3A_468 = vector.extract_strided_slice %dot_general3A_451 {offsets = [0, 128], sizes = [256, 128], strides = [1, 1]} : vector<256x2048xf32> to vector<256x128xf32>
    %add3A_469 = vector.broadcast %get3A_4 : vector<256x1xf32> to vector<256x128xf32>
    %add3A_470 = vector.broadcast %get3A_467 : vector<1x128xf32> to vector<256x128xf32>
    %add3A_471 = arith.addf %add3A_469, %add3A_470 : vector<256x128xf32>
    %add3A_472 = arith.addf %add3A_471, %slice3A_468 : vector<256x128xf32>
    %lt3A_473 = arith.cmpf olt, %add3A_472, %select_n3A_461 : vector<256x128xf32>
    %select_n3A_474 = arith.select %lt3A_473, %add3A_472, %select_n3A_461 : vector<256x128xi1>, vector<256x128xf32>
    %jit3A_475 = arith.constant 4224 : i32
    %broadcast_in_dim3A_476 = vector.broadcast %jit3A_475 : i32 to vector<256x128xi32>
    %select_n3A_477 = arith.select %lt3A_473, %broadcast_in_dim3A_476, %select_n3A_464 : vector<256x128xi1>, vector<256x128xi32>
    %get3A_478 = arith.constant 0 : index
    %get3A_479 = arith.constant 4352 : index
    %get3A_480 = vector.load %arg4[%get3A_478, %get3A_479] : memref<1x8192xf32, #tpu.memory_space<vmem>>, vector<1x128xf32>
    %slice3A_481 = vector.extract_strided_slice %dot_general3A_451 {offsets = [0, 256], sizes = [256, 128], strides = [1, 1]} : vector<256x2048xf32> to vector<256x128xf32>
    %add3A_482 = vector.broadcast %get3A_4 : vector<256x1xf32> to vector<256x128xf32>
    %add3A_483 = vector.broadcast %get3A_480 : vector<1x128xf32> to vector<256x128xf32>
    %add3A_484 = arith.addf %add3A_482, %add3A_483 : vector<256x128xf32>
    %add3A_485 = arith.addf %add3A_484, %slice3A_481 : vector<256x128xf32>
    %lt3A_486 = arith.cmpf olt, %add3A_485, %select_n3A_474 : vector<256x128xf32>
    %select_n3A_487 = arith.select %lt3A_486, %add3A_485, %select_n3A_474 : vector<256x128xi1>, vector<256x128xf32>
    %jit3A_488 = arith.constant 4352 : i32
    %broadcast_in_dim3A_489 = vector.broadcast %jit3A_488 : i32 to vector<256x128xi32>
    %select_n3A_490 = arith.select %lt3A_486, %broadcast_in_dim3A_489, %select_n3A_477 : vector<256x128xi1>, vector<256x128xi32>
    %get3A_491 = arith.constant 0 : index
    %get3A_492 = arith.constant 4480 : index
    %get3A_493 = vector.load %arg4[%get3A_491, %get3A_492] : memref<1x8192xf32, #tpu.memory_space<vmem>>, vector<1x128xf32>
    %slice3A_494 = vector.extract_strided_slice %dot_general3A_451 {offsets = [0, 384], sizes = [256, 128], strides = [1, 1]} : vector<256x2048xf32> to vector<256x128xf32>
    %add3A_495 = vector.broadcast %get3A_4 : vector<256x1xf32> to vector<256x128xf32>
    %add3A_496 = vector.broadcast %get3A_493 : vector<1x128xf32> to vector<256x128xf32>
    %add3A_497 = arith.addf %add3A_495, %add3A_496 : vector<256x128xf32>
    %add3A_498 = arith.addf %add3A_497, %slice3A_494 : vector<256x128xf32>
    %lt3A_499 = arith.cmpf olt, %add3A_498, %select_n3A_487 : vector<256x128xf32>
    %select_n3A_500 = arith.select %lt3A_499, %add3A_498, %select_n3A_487 : vector<256x128xi1>, vector<256x128xf32>
    %jit3A_501 = arith.constant 4480 : i32
    %broadcast_in_dim3A_502 = vector.broadcast %jit3A_501 : i32 to vector<256x128xi32>
    %select_n3A_503 = arith.select %lt3A_499, %broadcast_in_dim3A_502, %select_n3A_490 : vector<256x128xi1>, vector<256x128xi32>
    %get3A_504 = arith.constant 0 : index
    %get3A_505 = arith.constant 4608 : index
    %get3A_506 = vector.load %arg4[%get3A_504, %get3A_505] : memref<1x8192xf32, #tpu.memory_space<vmem>>, vector<1x128xf32>
    %slice3A_507 = vector.extract_strided_slice %dot_general3A_451 {offsets = [0, 512], sizes = [256, 128], strides = [1, 1]} : vector<256x2048xf32> to vector<256x128xf32>
    %add3A_508 = vector.broadcast %get3A_4 : vector<256x1xf32> to vector<256x128xf32>
    %add3A_509 = vector.broadcast %get3A_506 : vector<1x128xf32> to vector<256x128xf32>
    %add3A_510 = arith.addf %add3A_508, %add3A_509 : vector<256x128xf32>
    %add3A_511 = arith.addf %add3A_510, %slice3A_507 : vector<256x128xf32>
    %lt3A_512 = arith.cmpf olt, %add3A_511, %select_n3A_500 : vector<256x128xf32>
    %select_n3A_513 = arith.select %lt3A_512, %add3A_511, %select_n3A_500 : vector<256x128xi1>, vector<256x128xf32>
    %jit3A_514 = arith.constant 4608 : i32
    %broadcast_in_dim3A_515 = vector.broadcast %jit3A_514 : i32 to vector<256x128xi32>
    %select_n3A_516 = arith.select %lt3A_512, %broadcast_in_dim3A_515, %select_n3A_503 : vector<256x128xi1>, vector<256x128xi32>
    %get3A_517 = arith.constant 0 : index
    %get3A_518 = arith.constant 4736 : index
    %get3A_519 = vector.load %arg4[%get3A_517, %get3A_518] : memref<1x8192xf32, #tpu.memory_space<vmem>>, vector<1x128xf32>
    %slice3A_520 = vector.extract_strided_slice %dot_general3A_451 {offsets = [0, 640], sizes = [256, 128], strides = [1, 1]} : vector<256x2048xf32> to vector<256x128xf32>
    %add3A_521 = vector.broadcast %get3A_4 : vector<256x1xf32> to vector<256x128xf32>
    %add3A_522 = vector.broadcast %get3A_519 : vector<1x128xf32> to vector<256x128xf32>
    %add3A_523 = arith.addf %add3A_521, %add3A_522 : vector<256x128xf32>
    %add3A_524 = arith.addf %add3A_523, %slice3A_520 : vector<256x128xf32>
    %lt3A_525 = arith.cmpf olt, %add3A_524, %select_n3A_513 : vector<256x128xf32>
    %select_n3A_526 = arith.select %lt3A_525, %add3A_524, %select_n3A_513 : vector<256x128xi1>, vector<256x128xf32>
    %jit3A_527 = arith.constant 4736 : i32
    %broadcast_in_dim3A_528 = vector.broadcast %jit3A_527 : i32 to vector<256x128xi32>
    %select_n3A_529 = arith.select %lt3A_525, %broadcast_in_dim3A_528, %select_n3A_516 : vector<256x128xi1>, vector<256x128xi32>
    %get3A_530 = arith.constant 0 : index
    %get3A_531 = arith.constant 4864 : index
    %get3A_532 = vector.load %arg4[%get3A_530, %get3A_531] : memref<1x8192xf32, #tpu.memory_space<vmem>>, vector<1x128xf32>
    %slice3A_533 = vector.extract_strided_slice %dot_general3A_451 {offsets = [0, 768], sizes = [256, 128], strides = [1, 1]} : vector<256x2048xf32> to vector<256x128xf32>
    %add3A_534 = vector.broadcast %get3A_4 : vector<256x1xf32> to vector<256x128xf32>
    %add3A_535 = vector.broadcast %get3A_532 : vector<1x128xf32> to vector<256x128xf32>
    %add3A_536 = arith.addf %add3A_534, %add3A_535 : vector<256x128xf32>
    %add3A_537 = arith.addf %add3A_536, %slice3A_533 : vector<256x128xf32>
    %lt3A_538 = arith.cmpf olt, %add3A_537, %select_n3A_526 : vector<256x128xf32>
    %select_n3A_539 = arith.select %lt3A_538, %add3A_537, %select_n3A_526 : vector<256x128xi1>, vector<256x128xf32>
    %jit3A_540 = arith.constant 4864 : i32
    %broadcast_in_dim3A_541 = vector.broadcast %jit3A_540 : i32 to vector<256x128xi32>
    %select_n3A_542 = arith.select %lt3A_538, %broadcast_in_dim3A_541, %select_n3A_529 : vector<256x128xi1>, vector<256x128xi32>
    %get3A_543 = arith.constant 0 : index
    %get3A_544 = arith.constant 4992 : index
    %get3A_545 = vector.load %arg4[%get3A_543, %get3A_544] : memref<1x8192xf32, #tpu.memory_space<vmem>>, vector<1x128xf32>
    %slice3A_546 = vector.extract_strided_slice %dot_general3A_451 {offsets = [0, 896], sizes = [256, 128], strides = [1, 1]} : vector<256x2048xf32> to vector<256x128xf32>
    %add3A_547 = vector.broadcast %get3A_4 : vector<256x1xf32> to vector<256x128xf32>
    %add3A_548 = vector.broadcast %get3A_545 : vector<1x128xf32> to vector<256x128xf32>
    %add3A_549 = arith.addf %add3A_547, %add3A_548 : vector<256x128xf32>
    %add3A_550 = arith.addf %add3A_549, %slice3A_546 : vector<256x128xf32>
    %lt3A_551 = arith.cmpf olt, %add3A_550, %select_n3A_539 : vector<256x128xf32>
    %select_n3A_552 = arith.select %lt3A_551, %add3A_550, %select_n3A_539 : vector<256x128xi1>, vector<256x128xf32>
    %jit3A_553 = arith.constant 4992 : i32
    %broadcast_in_dim3A_554 = vector.broadcast %jit3A_553 : i32 to vector<256x128xi32>
    %select_n3A_555 = arith.select %lt3A_551, %broadcast_in_dim3A_554, %select_n3A_542 : vector<256x128xi1>, vector<256x128xi32>
    %get3A_556 = arith.constant 0 : index
    %get3A_557 = arith.constant 5120 : index
    %get3A_558 = vector.load %arg4[%get3A_556, %get3A_557] : memref<1x8192xf32, #tpu.memory_space<vmem>>, vector<1x128xf32>
    %slice3A_559 = vector.extract_strided_slice %dot_general3A_451 {offsets = [0, 1024], sizes = [256, 128], strides = [1, 1]} : vector<256x2048xf32> to vector<256x128xf32>
    %add3A_560 = vector.broadcast %get3A_4 : vector<256x1xf32> to vector<256x128xf32>
    %add3A_561 = vector.broadcast %get3A_558 : vector<1x128xf32> to vector<256x128xf32>
    %add3A_562 = arith.addf %add3A_560, %add3A_561 : vector<256x128xf32>
    %add3A_563 = arith.addf %add3A_562, %slice3A_559 : vector<256x128xf32>
    %lt3A_564 = arith.cmpf olt, %add3A_563, %select_n3A_552 : vector<256x128xf32>
    %select_n3A_565 = arith.select %lt3A_564, %add3A_563, %select_n3A_552 : vector<256x128xi1>, vector<256x128xf32>
    %jit3A_566 = arith.constant 5120 : i32
    %broadcast_in_dim3A_567 = vector.broadcast %jit3A_566 : i32 to vector<256x128xi32>
    %select_n3A_568 = arith.select %lt3A_564, %broadcast_in_dim3A_567, %select_n3A_555 : vector<256x128xi1>, vector<256x128xi32>
    %get3A_569 = arith.constant 0 : index
    %get3A_570 = arith.constant 5248 : index
    %get3A_571 = vector.load %arg4[%get3A_569, %get3A_570] : memref<1x8192xf32, #tpu.memory_space<vmem>>, vector<1x128xf32>
    %slice3A_572 = vector.extract_strided_slice %dot_general3A_451 {offsets = [0, 1152], sizes = [256, 128], strides = [1, 1]} : vector<256x2048xf32> to vector<256x128xf32>
    %add3A_573 = vector.broadcast %get3A_4 : vector<256x1xf32> to vector<256x128xf32>
    %add3A_574 = vector.broadcast %get3A_571 : vector<1x128xf32> to vector<256x128xf32>
    %add3A_575 = arith.addf %add3A_573, %add3A_574 : vector<256x128xf32>
    %add3A_576 = arith.addf %add3A_575, %slice3A_572 : vector<256x128xf32>
    %lt3A_577 = arith.cmpf olt, %add3A_576, %select_n3A_565 : vector<256x128xf32>
    %select_n3A_578 = arith.select %lt3A_577, %add3A_576, %select_n3A_565 : vector<256x128xi1>, vector<256x128xf32>
    %jit3A_579 = arith.constant 5248 : i32
    %broadcast_in_dim3A_580 = vector.broadcast %jit3A_579 : i32 to vector<256x128xi32>
    %select_n3A_581 = arith.select %lt3A_577, %broadcast_in_dim3A_580, %select_n3A_568 : vector<256x128xi1>, vector<256x128xi32>
    %get3A_582 = arith.constant 0 : index
    %get3A_583 = arith.constant 5376 : index
    %get3A_584 = vector.load %arg4[%get3A_582, %get3A_583] : memref<1x8192xf32, #tpu.memory_space<vmem>>, vector<1x128xf32>
    %slice3A_585 = vector.extract_strided_slice %dot_general3A_451 {offsets = [0, 1280], sizes = [256, 128], strides = [1, 1]} : vector<256x2048xf32> to vector<256x128xf32>
    %add3A_586 = vector.broadcast %get3A_4 : vector<256x1xf32> to vector<256x128xf32>
    %add3A_587 = vector.broadcast %get3A_584 : vector<1x128xf32> to vector<256x128xf32>
    %add3A_588 = arith.addf %add3A_586, %add3A_587 : vector<256x128xf32>
    %add3A_589 = arith.addf %add3A_588, %slice3A_585 : vector<256x128xf32>
    %lt3A_590 = arith.cmpf olt, %add3A_589, %select_n3A_578 : vector<256x128xf32>
    %lt3A_591 = arith.constant 96 : i32
    %lt3A_592 = vector.broadcast %lt3A_591 : i32 to vector<256x128xi32>
    %lt3A_593 = arith.cmpi slt, %iota3A, %lt3A_592 : vector<256x128xi32>
    %and3A_594 = arith.andi %lt3A_590, %lt3A_593 : vector<256x128xi1>
    %select_n3A_595 = arith.select %and3A_594, %add3A_589, %select_n3A_578 : vector<256x128xi1>, vector<256x128xf32>
    %jit3A_596 = arith.constant 5376 : i32
    %broadcast_in_dim3A_597 = vector.broadcast %jit3A_596 : i32 to vector<256x128xi32>
    %select_n3A_598 = arith.select %and3A_594, %broadcast_in_dim3A_597, %select_n3A_581 : vector<256x128xi1>, vector<256x128xi32>
    %lt3A_599 = arith.cmpf olt, %add3A_589, %broadcast_in_dim3A_9 : vector<256x128xf32>
    %ge3A_600 = arith.constant 96 : i32
    %ge3A_601 = vector.broadcast %ge3A_600 : i32 to vector<256x128xi32>
    %ge3A_602 = arith.cmpi sge, %iota3A, %ge3A_601 : vector<256x128xi32>
    %and3A_603 = arith.andi %lt3A_599, %ge3A_602 : vector<256x128xi1>
    %select_n3A_604 = arith.select %and3A_603, %add3A_589, %broadcast_in_dim3A_9 : vector<256x128xi1>, vector<256x128xf32>
    %jit3A_605 = arith.constant 5376 : i32
    %broadcast_in_dim3A_606 = vector.broadcast %jit3A_605 : i32 to vector<256x128xi32>
    %select_n3A_607 = arith.select %and3A_603, %broadcast_in_dim3A_606, %broadcast_in_dim3A_15 : vector<256x128xi1>, vector<256x128xi32>
    %get3A_608 = arith.constant 0 : index
    %get3A_609 = arith.constant 5504 : index
    %get3A_610 = vector.load %arg4[%get3A_608, %get3A_609] : memref<1x8192xf32, #tpu.memory_space<vmem>>, vector<1x128xf32>
    %slice3A_611 = vector.extract_strided_slice %dot_general3A_451 {offsets = [0, 1408], sizes = [256, 128], strides = [1, 1]} : vector<256x2048xf32> to vector<256x128xf32>
    %add3A_612 = vector.broadcast %get3A_4 : vector<256x1xf32> to vector<256x128xf32>
    %add3A_613 = vector.broadcast %get3A_610 : vector<1x128xf32> to vector<256x128xf32>
    %add3A_614 = arith.addf %add3A_612, %add3A_613 : vector<256x128xf32>
    %add3A_615 = arith.addf %add3A_614, %slice3A_611 : vector<256x128xf32>
    %lt3A_616 = arith.cmpf olt, %add3A_615, %select_n3A_604 : vector<256x128xf32>
    %select_n3A_617 = arith.select %lt3A_616, %add3A_615, %select_n3A_604 : vector<256x128xi1>, vector<256x128xf32>
    %jit3A_618 = arith.constant 5504 : i32
    %broadcast_in_dim3A_619 = vector.broadcast %jit3A_618 : i32 to vector<256x128xi32>
    %select_n3A_620 = arith.select %lt3A_616, %broadcast_in_dim3A_619, %select_n3A_607 : vector<256x128xi1>, vector<256x128xi32>
    %get3A_621 = arith.constant 0 : index
    %get3A_622 = arith.constant 5632 : index
    %get3A_623 = vector.load %arg4[%get3A_621, %get3A_622] : memref<1x8192xf32, #tpu.memory_space<vmem>>, vector<1x128xf32>
    %slice3A_624 = vector.extract_strided_slice %dot_general3A_451 {offsets = [0, 1536], sizes = [256, 128], strides = [1, 1]} : vector<256x2048xf32> to vector<256x128xf32>
    %add3A_625 = vector.broadcast %get3A_4 : vector<256x1xf32> to vector<256x128xf32>
    %add3A_626 = vector.broadcast %get3A_623 : vector<1x128xf32> to vector<256x128xf32>
    %add3A_627 = arith.addf %add3A_625, %add3A_626 : vector<256x128xf32>
    %add3A_628 = arith.addf %add3A_627, %slice3A_624 : vector<256x128xf32>
    %lt3A_629 = arith.cmpf olt, %add3A_628, %select_n3A_617 : vector<256x128xf32>
    %select_n3A_630 = arith.select %lt3A_629, %add3A_628, %select_n3A_617 : vector<256x128xi1>, vector<256x128xf32>
    %jit3A_631 = arith.constant 5632 : i32
    %broadcast_in_dim3A_632 = vector.broadcast %jit3A_631 : i32 to vector<256x128xi32>
    %select_n3A_633 = arith.select %lt3A_629, %broadcast_in_dim3A_632, %select_n3A_620 : vector<256x128xi1>, vector<256x128xi32>
    %get3A_634 = arith.constant 0 : index
    %get3A_635 = arith.constant 5760 : index
    %get3A_636 = vector.load %arg4[%get3A_634, %get3A_635] : memref<1x8192xf32, #tpu.memory_space<vmem>>, vector<1x128xf32>
    %slice3A_637 = vector.extract_strided_slice %dot_general3A_451 {offsets = [0, 1664], sizes = [256, 128], strides = [1, 1]} : vector<256x2048xf32> to vector<256x128xf32>
    %add3A_638 = vector.broadcast %get3A_4 : vector<256x1xf32> to vector<256x128xf32>
    %add3A_639 = vector.broadcast %get3A_636 : vector<1x128xf32> to vector<256x128xf32>
    %add3A_640 = arith.addf %add3A_638, %add3A_639 : vector<256x128xf32>
    %add3A_641 = arith.addf %add3A_640, %slice3A_637 : vector<256x128xf32>
    %lt3A_642 = arith.cmpf olt, %add3A_641, %select_n3A_630 : vector<256x128xf32>
    %select_n3A_643 = arith.select %lt3A_642, %add3A_641, %select_n3A_630 : vector<256x128xi1>, vector<256x128xf32>
    %jit3A_644 = arith.constant 5760 : i32
    %broadcast_in_dim3A_645 = vector.broadcast %jit3A_644 : i32 to vector<256x128xi32>
    %select_n3A_646 = arith.select %lt3A_642, %broadcast_in_dim3A_645, %select_n3A_633 : vector<256x128xi1>, vector<256x128xi32>
    %get3A_647 = arith.constant 0 : index
    %get3A_648 = arith.constant 5888 : index
    %get3A_649 = vector.load %arg4[%get3A_647, %get3A_648] : memref<1x8192xf32, #tpu.memory_space<vmem>>, vector<1x128xf32>
    %slice3A_650 = vector.extract_strided_slice %dot_general3A_451 {offsets = [0, 1792], sizes = [256, 128], strides = [1, 1]} : vector<256x2048xf32> to vector<256x128xf32>
    %add3A_651 = vector.broadcast %get3A_4 : vector<256x1xf32> to vector<256x128xf32>
    %add3A_652 = vector.broadcast %get3A_649 : vector<1x128xf32> to vector<256x128xf32>
    %add3A_653 = arith.addf %add3A_651, %add3A_652 : vector<256x128xf32>
    %add3A_654 = arith.addf %add3A_653, %slice3A_650 : vector<256x128xf32>
    %lt3A_655 = arith.cmpf olt, %add3A_654, %select_n3A_643 : vector<256x128xf32>
    %select_n3A_656 = arith.select %lt3A_655, %add3A_654, %select_n3A_643 : vector<256x128xi1>, vector<256x128xf32>
    %jit3A_657 = arith.constant 5888 : i32
    %broadcast_in_dim3A_658 = vector.broadcast %jit3A_657 : i32 to vector<256x128xi32>
    %select_n3A_659 = arith.select %lt3A_655, %broadcast_in_dim3A_658, %select_n3A_646 : vector<256x128xi1>, vector<256x128xi32>
    %get3A_660 = arith.constant 0 : index
    %get3A_661 = arith.constant 6016 : index
    %get3A_662 = vector.load %arg4[%get3A_660, %get3A_661] : memref<1x8192xf32, #tpu.memory_space<vmem>>, vector<1x128xf32>
    %slice3A_663 = vector.extract_strided_slice %dot_general3A_451 {offsets = [0, 1920], sizes = [256, 128], strides = [1, 1]} : vector<256x2048xf32> to vector<256x128xf32>
    %add3A_664 = vector.broadcast %get3A_4 : vector<256x1xf32> to vector<256x128xf32>
    %add3A_665 = vector.broadcast %get3A_662 : vector<1x128xf32> to vector<256x128xf32>
    %add3A_666 = arith.addf %add3A_664, %add3A_665 : vector<256x128xf32>
    %add3A_667 = arith.addf %add3A_666, %slice3A_663 : vector<256x128xf32>
    %lt3A_668 = arith.cmpf olt, %add3A_667, %select_n3A_656 : vector<256x128xf32>
    %select_n3A_669 = arith.select %lt3A_668, %add3A_667, %select_n3A_656 : vector<256x128xi1>, vector<256x128xf32>
    %jit3A_670 = arith.constant 6016 : i32
    %broadcast_in_dim3A_671 = vector.broadcast %jit3A_670 : i32 to vector<256x128xi32>
    %select_n3A_672 = arith.select %lt3A_668, %broadcast_in_dim3A_671, %select_n3A_659 : vector<256x128xi1>, vector<256x128xi32>
    %get3A_673 = arith.constant 6144 : index
    %get3A_674 = arith.constant 0 : index
    %get3A_675 = vector.load %arg3[%get3A_673, %get3A_674] : memref<8192x256xbf16, #tpu.memory_space<vmem>>, vector<2048x256xbf16>
    %dot_general3A_676 = arith.constant dense<0.000000e+00> : vector<256x2048xf32>
    %dot_general3A_677 = tpu.matmul %convert_element_type3A, %get3A_675, %dot_general3A_676 {dimension_numbers = #tpu.dot_dimension_numbers<[1], [1], [0], [0], [0, 0, 1, 0], [], []>, transpose_lhs_hint = false} : vector<256x256xbf16>, vector<2048x256xbf16>, vector<256x2048xf32> -> vector<256x2048xf32>
    %get3A_678 = arith.constant 0 : index
    %get3A_679 = arith.constant 6144 : index
    %get3A_680 = vector.load %arg4[%get3A_678, %get3A_679] : memref<1x8192xf32, #tpu.memory_space<vmem>>, vector<1x128xf32>
    %slice3A_681 = vector.extract_strided_slice %dot_general3A_677 {offsets = [0, 0], sizes = [256, 128], strides = [1, 1]} : vector<256x2048xf32> to vector<256x128xf32>
    %add3A_682 = vector.broadcast %get3A_4 : vector<256x1xf32> to vector<256x128xf32>
    %add3A_683 = vector.broadcast %get3A_680 : vector<1x128xf32> to vector<256x128xf32>
    %add3A_684 = arith.addf %add3A_682, %add3A_683 : vector<256x128xf32>
    %add3A_685 = arith.addf %add3A_684, %slice3A_681 : vector<256x128xf32>
    %lt3A_686 = arith.cmpf olt, %add3A_685, %select_n3A_669 : vector<256x128xf32>
    %select_n3A_687 = arith.select %lt3A_686, %add3A_685, %select_n3A_669 : vector<256x128xi1>, vector<256x128xf32>
    %jit3A_688 = arith.constant 6144 : i32
    %broadcast_in_dim3A_689 = vector.broadcast %jit3A_688 : i32 to vector<256x128xi32>
    %select_n3A_690 = arith.select %lt3A_686, %broadcast_in_dim3A_689, %select_n3A_672 : vector<256x128xi1>, vector<256x128xi32>
    %get3A_691 = arith.constant 0 : index
    %get3A_692 = arith.constant 6272 : index
    %get3A_693 = vector.load %arg4[%get3A_691, %get3A_692] : memref<1x8192xf32, #tpu.memory_space<vmem>>, vector<1x128xf32>
    %slice3A_694 = vector.extract_strided_slice %dot_general3A_677 {offsets = [0, 128], sizes = [256, 128], strides = [1, 1]} : vector<256x2048xf32> to vector<256x128xf32>
    %add3A_695 = vector.broadcast %get3A_4 : vector<256x1xf32> to vector<256x128xf32>
    %add3A_696 = vector.broadcast %get3A_693 : vector<1x128xf32> to vector<256x128xf32>
    %add3A_697 = arith.addf %add3A_695, %add3A_696 : vector<256x128xf32>
    %add3A_698 = arith.addf %add3A_697, %slice3A_694 : vector<256x128xf32>
    %lt3A_699 = arith.cmpf olt, %add3A_698, %select_n3A_687 : vector<256x128xf32>
    %select_n3A_700 = arith.select %lt3A_699, %add3A_698, %select_n3A_687 : vector<256x128xi1>, vector<256x128xf32>
    %jit3A_701 = arith.constant 6272 : i32
    %broadcast_in_dim3A_702 = vector.broadcast %jit3A_701 : i32 to vector<256x128xi32>
    %select_n3A_703 = arith.select %lt3A_699, %broadcast_in_dim3A_702, %select_n3A_690 : vector<256x128xi1>, vector<256x128xi32>
    %get3A_704 = arith.constant 0 : index
    %get3A_705 = arith.constant 6400 : index
    %get3A_706 = vector.load %arg4[%get3A_704, %get3A_705] : memref<1x8192xf32, #tpu.memory_space<vmem>>, vector<1x128xf32>
    %slice3A_707 = vector.extract_strided_slice %dot_general3A_677 {offsets = [0, 256], sizes = [256, 128], strides = [1, 1]} : vector<256x2048xf32> to vector<256x128xf32>
    %add3A_708 = vector.broadcast %get3A_4 : vector<256x1xf32> to vector<256x128xf32>
    %add3A_709 = vector.broadcast %get3A_706 : vector<1x128xf32> to vector<256x128xf32>
    %add3A_710 = arith.addf %add3A_708, %add3A_709 : vector<256x128xf32>
    %add3A_711 = arith.addf %add3A_710, %slice3A_707 : vector<256x128xf32>
    %lt3A_712 = arith.cmpf olt, %add3A_711, %select_n3A_700 : vector<256x128xf32>
    %select_n3A_713 = arith.select %lt3A_712, %add3A_711, %select_n3A_700 : vector<256x128xi1>, vector<256x128xf32>
    %jit3A_714 = arith.constant 6400 : i32
    %broadcast_in_dim3A_715 = vector.broadcast %jit3A_714 : i32 to vector<256x128xi32>
    %select_n3A_716 = arith.select %lt3A_712, %broadcast_in_dim3A_715, %select_n3A_703 : vector<256x128xi1>, vector<256x128xi32>
    %get3A_717 = arith.constant 0 : index
    %get3A_718 = arith.constant 6528 : index
    %get3A_719 = vector.load %arg4[%get3A_717, %get3A_718] : memref<1x8192xf32, #tpu.memory_space<vmem>>, vector<1x128xf32>
    %slice3A_720 = vector.extract_strided_slice %dot_general3A_677 {offsets = [0, 384], sizes = [256, 128], strides = [1, 1]} : vector<256x2048xf32> to vector<256x128xf32>
    %add3A_721 = vector.broadcast %get3A_4 : vector<256x1xf32> to vector<256x128xf32>
    %add3A_722 = vector.broadcast %get3A_719 : vector<1x128xf32> to vector<256x128xf32>
    %add3A_723 = arith.addf %add3A_721, %add3A_722 : vector<256x128xf32>
    %add3A_724 = arith.addf %add3A_723, %slice3A_720 : vector<256x128xf32>
    %lt3A_725 = arith.cmpf olt, %add3A_724, %select_n3A_713 : vector<256x128xf32>
    %select_n3A_726 = arith.select %lt3A_725, %add3A_724, %select_n3A_713 : vector<256x128xi1>, vector<256x128xf32>
    %jit3A_727 = arith.constant 6528 : i32
    %broadcast_in_dim3A_728 = vector.broadcast %jit3A_727 : i32 to vector<256x128xi32>
    %select_n3A_729 = arith.select %lt3A_725, %broadcast_in_dim3A_728, %select_n3A_716 : vector<256x128xi1>, vector<256x128xi32>
    %get3A_730 = arith.constant 0 : index
    %get3A_731 = arith.constant 6656 : index
    %get3A_732 = vector.load %arg4[%get3A_730, %get3A_731] : memref<1x8192xf32, #tpu.memory_space<vmem>>, vector<1x128xf32>
    %slice3A_733 = vector.extract_strided_slice %dot_general3A_677 {offsets = [0, 512], sizes = [256, 128], strides = [1, 1]} : vector<256x2048xf32> to vector<256x128xf32>
    %add3A_734 = vector.broadcast %get3A_4 : vector<256x1xf32> to vector<256x128xf32>
    %add3A_735 = vector.broadcast %get3A_732 : vector<1x128xf32> to vector<256x128xf32>
    %add3A_736 = arith.addf %add3A_734, %add3A_735 : vector<256x128xf32>
    %add3A_737 = arith.addf %add3A_736, %slice3A_733 : vector<256x128xf32>
    %lt3A_738 = arith.cmpf olt, %add3A_737, %select_n3A_726 : vector<256x128xf32>
    %select_n3A_739 = arith.select %lt3A_738, %add3A_737, %select_n3A_726 : vector<256x128xi1>, vector<256x128xf32>
    %jit3A_740 = arith.constant 6656 : i32
    %broadcast_in_dim3A_741 = vector.broadcast %jit3A_740 : i32 to vector<256x128xi32>
    %select_n3A_742 = arith.select %lt3A_738, %broadcast_in_dim3A_741, %select_n3A_729 : vector<256x128xi1>, vector<256x128xi32>
    %get3A_743 = arith.constant 0 : index
    %get3A_744 = arith.constant 6784 : index
    %get3A_745 = vector.load %arg4[%get3A_743, %get3A_744] : memref<1x8192xf32, #tpu.memory_space<vmem>>, vector<1x128xf32>
    %slice3A_746 = vector.extract_strided_slice %dot_general3A_677 {offsets = [0, 640], sizes = [256, 128], strides = [1, 1]} : vector<256x2048xf32> to vector<256x128xf32>
    %add3A_747 = vector.broadcast %get3A_4 : vector<256x1xf32> to vector<256x128xf32>
    %add3A_748 = vector.broadcast %get3A_745 : vector<1x128xf32> to vector<256x128xf32>
    %add3A_749 = arith.addf %add3A_747, %add3A_748 : vector<256x128xf32>
    %add3A_750 = arith.addf %add3A_749, %slice3A_746 : vector<256x128xf32>
    %lt3A_751 = arith.cmpf olt, %add3A_750, %select_n3A_739 : vector<256x128xf32>
    %select_n3A_752 = arith.select %lt3A_751, %add3A_750, %select_n3A_739 : vector<256x128xi1>, vector<256x128xf32>
    %jit3A_753 = arith.constant 6784 : i32
    %broadcast_in_dim3A_754 = vector.broadcast %jit3A_753 : i32 to vector<256x128xi32>
    %select_n3A_755 = arith.select %lt3A_751, %broadcast_in_dim3A_754, %select_n3A_742 : vector<256x128xi1>, vector<256x128xi32>
    %get3A_756 = arith.constant 0 : index
    %get3A_757 = arith.constant 6912 : index
    %get3A_758 = vector.load %arg4[%get3A_756, %get3A_757] : memref<1x8192xf32, #tpu.memory_space<vmem>>, vector<1x128xf32>
    %slice3A_759 = vector.extract_strided_slice %dot_general3A_677 {offsets = [0, 768], sizes = [256, 128], strides = [1, 1]} : vector<256x2048xf32> to vector<256x128xf32>
    %add3A_760 = vector.broadcast %get3A_4 : vector<256x1xf32> to vector<256x128xf32>
    %add3A_761 = vector.broadcast %get3A_758 : vector<1x128xf32> to vector<256x128xf32>
    %add3A_762 = arith.addf %add3A_760, %add3A_761 : vector<256x128xf32>
    %add3A_763 = arith.addf %add3A_762, %slice3A_759 : vector<256x128xf32>
    %lt3A_764 = arith.cmpf olt, %add3A_763, %select_n3A_752 : vector<256x128xf32>
    %select_n3A_765 = arith.select %lt3A_764, %add3A_763, %select_n3A_752 : vector<256x128xi1>, vector<256x128xf32>
    %jit3A_766 = arith.constant 6912 : i32
    %broadcast_in_dim3A_767 = vector.broadcast %jit3A_766 : i32 to vector<256x128xi32>
    %select_n3A_768 = arith.select %lt3A_764, %broadcast_in_dim3A_767, %select_n3A_755 : vector<256x128xi1>, vector<256x128xi32>
    %get3A_769 = arith.constant 0 : index
    %get3A_770 = arith.constant 7040 : index
    %get3A_771 = vector.load %arg4[%get3A_769, %get3A_770] : memref<1x8192xf32, #tpu.memory_space<vmem>>, vector<1x128xf32>
    %slice3A_772 = vector.extract_strided_slice %dot_general3A_677 {offsets = [0, 896], sizes = [256, 128], strides = [1, 1]} : vector<256x2048xf32> to vector<256x128xf32>
    %add3A_773 = vector.broadcast %get3A_4 : vector<256x1xf32> to vector<256x128xf32>
    %add3A_774 = vector.broadcast %get3A_771 : vector<1x128xf32> to vector<256x128xf32>
    %add3A_775 = arith.addf %add3A_773, %add3A_774 : vector<256x128xf32>
    %add3A_776 = arith.addf %add3A_775, %slice3A_772 : vector<256x128xf32>
    %lt3A_777 = arith.cmpf olt, %add3A_776, %select_n3A_765 : vector<256x128xf32>
    %select_n3A_778 = arith.select %lt3A_777, %add3A_776, %select_n3A_765 : vector<256x128xi1>, vector<256x128xf32>
    %jit3A_779 = arith.constant 7040 : i32
    %broadcast_in_dim3A_780 = vector.broadcast %jit3A_779 : i32 to vector<256x128xi32>
    %select_n3A_781 = arith.select %lt3A_777, %broadcast_in_dim3A_780, %select_n3A_768 : vector<256x128xi1>, vector<256x128xi32>
    %get3A_782 = arith.constant 0 : index
    %get3A_783 = arith.constant 7168 : index
    %get3A_784 = vector.load %arg4[%get3A_782, %get3A_783] : memref<1x8192xf32, #tpu.memory_space<vmem>>, vector<1x128xf32>
    %slice3A_785 = vector.extract_strided_slice %dot_general3A_677 {offsets = [0, 1024], sizes = [256, 128], strides = [1, 1]} : vector<256x2048xf32> to vector<256x128xf32>
    %add3A_786 = vector.broadcast %get3A_4 : vector<256x1xf32> to vector<256x128xf32>
    %add3A_787 = vector.broadcast %get3A_784 : vector<1x128xf32> to vector<256x128xf32>
    %add3A_788 = arith.addf %add3A_786, %add3A_787 : vector<256x128xf32>
    %add3A_789 = arith.addf %add3A_788, %slice3A_785 : vector<256x128xf32>
    %lt3A_790 = arith.cmpf olt, %add3A_789, %select_n3A_778 : vector<256x128xf32>
    %select_n3A_791 = arith.select %lt3A_790, %add3A_789, %select_n3A_778 : vector<256x128xi1>, vector<256x128xf32>
    %jit3A_792 = arith.constant 7168 : i32
    %broadcast_in_dim3A_793 = vector.broadcast %jit3A_792 : i32 to vector<256x128xi32>
    %select_n3A_794 = arith.select %lt3A_790, %broadcast_in_dim3A_793, %select_n3A_781 : vector<256x128xi1>, vector<256x128xi32>
    %get3A_795 = arith.constant 0 : index
    %get3A_796 = arith.constant 7296 : index
    %get3A_797 = vector.load %arg4[%get3A_795, %get3A_796] : memref<1x8192xf32, #tpu.memory_space<vmem>>, vector<1x128xf32>
    %slice3A_798 = vector.extract_strided_slice %dot_general3A_677 {offsets = [0, 1152], sizes = [256, 128], strides = [1, 1]} : vector<256x2048xf32> to vector<256x128xf32>
    %add3A_799 = vector.broadcast %get3A_4 : vector<256x1xf32> to vector<256x128xf32>
    %add3A_800 = vector.broadcast %get3A_797 : vector<1x128xf32> to vector<256x128xf32>
    %add3A_801 = arith.addf %add3A_799, %add3A_800 : vector<256x128xf32>
    %add3A_802 = arith.addf %add3A_801, %slice3A_798 : vector<256x128xf32>
    %lt3A_803 = arith.cmpf olt, %add3A_802, %select_n3A_791 : vector<256x128xf32>
    %select_n3A_804 = arith.select %lt3A_803, %add3A_802, %select_n3A_791 : vector<256x128xi1>, vector<256x128xf32>
    %jit3A_805 = arith.constant 7296 : i32
    %broadcast_in_dim3A_806 = vector.broadcast %jit3A_805 : i32 to vector<256x128xi32>
    %select_n3A_807 = arith.select %lt3A_803, %broadcast_in_dim3A_806, %select_n3A_794 : vector<256x128xi1>, vector<256x128xi32>
    %get3A_808 = arith.constant 0 : index
    %get3A_809 = arith.constant 7424 : index
    %get3A_810 = vector.load %arg4[%get3A_808, %get3A_809] : memref<1x8192xf32, #tpu.memory_space<vmem>>, vector<1x128xf32>
    %slice3A_811 = vector.extract_strided_slice %dot_general3A_677 {offsets = [0, 1280], sizes = [256, 128], strides = [1, 1]} : vector<256x2048xf32> to vector<256x128xf32>
    %add3A_812 = vector.broadcast %get3A_4 : vector<256x1xf32> to vector<256x128xf32>
    %add3A_813 = vector.broadcast %get3A_810 : vector<1x128xf32> to vector<256x128xf32>
    %add3A_814 = arith.addf %add3A_812, %add3A_813 : vector<256x128xf32>
    %add3A_815 = arith.addf %add3A_814, %slice3A_811 : vector<256x128xf32>
    %lt3A_816 = arith.cmpf olt, %add3A_815, %select_n3A_804 : vector<256x128xf32>
    %select_n3A_817 = arith.select %lt3A_816, %add3A_815, %select_n3A_804 : vector<256x128xi1>, vector<256x128xf32>
    %jit3A_818 = arith.constant 7424 : i32
    %broadcast_in_dim3A_819 = vector.broadcast %jit3A_818 : i32 to vector<256x128xi32>
    %select_n3A_820 = arith.select %lt3A_816, %broadcast_in_dim3A_819, %select_n3A_807 : vector<256x128xi1>, vector<256x128xi32>
    %get3A_821 = arith.constant 0 : index
    %get3A_822 = arith.constant 7552 : index
    %get3A_823 = vector.load %arg4[%get3A_821, %get3A_822] : memref<1x8192xf32, #tpu.memory_space<vmem>>, vector<1x128xf32>
    %slice3A_824 = vector.extract_strided_slice %dot_general3A_677 {offsets = [0, 1408], sizes = [256, 128], strides = [1, 1]} : vector<256x2048xf32> to vector<256x128xf32>
    %add3A_825 = vector.broadcast %get3A_4 : vector<256x1xf32> to vector<256x128xf32>
    %add3A_826 = vector.broadcast %get3A_823 : vector<1x128xf32> to vector<256x128xf32>
    %add3A_827 = arith.addf %add3A_825, %add3A_826 : vector<256x128xf32>
    %add3A_828 = arith.addf %add3A_827, %slice3A_824 : vector<256x128xf32>
    %lt3A_829 = arith.cmpf olt, %add3A_828, %select_n3A_817 : vector<256x128xf32>
    %select_n3A_830 = arith.select %lt3A_829, %add3A_828, %select_n3A_817 : vector<256x128xi1>, vector<256x128xf32>
    %jit3A_831 = arith.constant 7552 : i32
    %broadcast_in_dim3A_832 = vector.broadcast %jit3A_831 : i32 to vector<256x128xi32>
    %select_n3A_833 = arith.select %lt3A_829, %broadcast_in_dim3A_832, %select_n3A_820 : vector<256x128xi1>, vector<256x128xi32>
    %get3A_834 = arith.constant 0 : index
    %get3A_835 = arith.constant 7680 : index
    %get3A_836 = vector.load %arg4[%get3A_834, %get3A_835] : memref<1x8192xf32, #tpu.memory_space<vmem>>, vector<1x128xf32>
    %slice3A_837 = vector.extract_strided_slice %dot_general3A_677 {offsets = [0, 1536], sizes = [256, 128], strides = [1, 1]} : vector<256x2048xf32> to vector<256x128xf32>
    %add3A_838 = vector.broadcast %get3A_4 : vector<256x1xf32> to vector<256x128xf32>
    %add3A_839 = vector.broadcast %get3A_836 : vector<1x128xf32> to vector<256x128xf32>
    %add3A_840 = arith.addf %add3A_838, %add3A_839 : vector<256x128xf32>
    %add3A_841 = arith.addf %add3A_840, %slice3A_837 : vector<256x128xf32>
    %lt3A_842 = arith.cmpf olt, %add3A_841, %select_n3A_830 : vector<256x128xf32>
    %select_n3A_843 = arith.select %lt3A_842, %add3A_841, %select_n3A_830 : vector<256x128xi1>, vector<256x128xf32>
    %jit3A_844 = arith.constant 7680 : i32
    %broadcast_in_dim3A_845 = vector.broadcast %jit3A_844 : i32 to vector<256x128xi32>
    %select_n3A_846 = arith.select %lt3A_842, %broadcast_in_dim3A_845, %select_n3A_833 : vector<256x128xi1>, vector<256x128xi32>
    %get3A_847 = arith.constant 0 : index
    %get3A_848 = arith.constant 7808 : index
    %get3A_849 = vector.load %arg4[%get3A_847, %get3A_848] : memref<1x8192xf32, #tpu.memory_space<vmem>>, vector<1x128xf32>
    %slice3A_850 = vector.extract_strided_slice %dot_general3A_677 {offsets = [0, 1664], sizes = [256, 128], strides = [1, 1]} : vector<256x2048xf32> to vector<256x128xf32>
    %add3A_851 = vector.broadcast %get3A_4 : vector<256x1xf32> to vector<256x128xf32>
    %add3A_852 = vector.broadcast %get3A_849 : vector<1x128xf32> to vector<256x128xf32>
    %add3A_853 = arith.addf %add3A_851, %add3A_852 : vector<256x128xf32>
    %add3A_854 = arith.addf %add3A_853, %slice3A_850 : vector<256x128xf32>
    %lt3A_855 = arith.cmpf olt, %add3A_854, %select_n3A_843 : vector<256x128xf32>
    %select_n3A_856 = arith.select %lt3A_855, %add3A_854, %select_n3A_843 : vector<256x128xi1>, vector<256x128xf32>
    %jit3A_857 = arith.constant 7808 : i32
    %broadcast_in_dim3A_858 = vector.broadcast %jit3A_857 : i32 to vector<256x128xi32>
    %select_n3A_859 = arith.select %lt3A_855, %broadcast_in_dim3A_858, %select_n3A_846 : vector<256x128xi1>, vector<256x128xi32>
    %get3A_860 = arith.constant 0 : index
    %get3A_861 = arith.constant 7936 : index
    %get3A_862 = vector.load %arg4[%get3A_860, %get3A_861] : memref<1x8192xf32, #tpu.memory_space<vmem>>, vector<1x128xf32>
    %slice3A_863 = vector.extract_strided_slice %dot_general3A_677 {offsets = [0, 1792], sizes = [256, 128], strides = [1, 1]} : vector<256x2048xf32> to vector<256x128xf32>
    %add3A_864 = vector.broadcast %get3A_4 : vector<256x1xf32> to vector<256x128xf32>
    %add3A_865 = vector.broadcast %get3A_862 : vector<1x128xf32> to vector<256x128xf32>
    %add3A_866 = arith.addf %add3A_864, %add3A_865 : vector<256x128xf32>
    %add3A_867 = arith.addf %add3A_866, %slice3A_863 : vector<256x128xf32>
    %lt3A_868 = arith.cmpf olt, %add3A_867, %select_n3A_856 : vector<256x128xf32>
    %select_n3A_869 = arith.select %lt3A_868, %add3A_867, %select_n3A_856 : vector<256x128xi1>, vector<256x128xf32>
    %jit3A_870 = arith.constant 7936 : i32
    %broadcast_in_dim3A_871 = vector.broadcast %jit3A_870 : i32 to vector<256x128xi32>
    %select_n3A_872 = arith.select %lt3A_868, %broadcast_in_dim3A_871, %select_n3A_859 : vector<256x128xi1>, vector<256x128xi32>
    %get3A_873 = arith.constant 0 : index
    %get3A_874 = arith.constant 8064 : index
    %get3A_875 = vector.load %arg4[%get3A_873, %get3A_874] : memref<1x8192xf32, #tpu.memory_space<vmem>>, vector<1x128xf32>
    %slice3A_876 = vector.extract_strided_slice %dot_general3A_677 {offsets = [0, 1920], sizes = [256, 128], strides = [1, 1]} : vector<256x2048xf32> to vector<256x128xf32>
    %add3A_877 = vector.broadcast %get3A_4 : vector<256x1xf32> to vector<256x128xf32>
    %add3A_878 = vector.broadcast %get3A_875 : vector<1x128xf32> to vector<256x128xf32>
    %add3A_879 = arith.addf %add3A_877, %add3A_878 : vector<256x128xf32>
    %add3A_880 = arith.addf %add3A_879, %slice3A_876 : vector<256x128xf32>
    %lt3A_881 = arith.cmpf olt, %add3A_880, %select_n3A_869 : vector<256x128xf32>
    %select_n3A_882 = arith.select %lt3A_881, %add3A_880, %select_n3A_869 : vector<256x128xi1>, vector<256x128xf32>
    %jit3A_883 = arith.constant 8064 : i32
    %broadcast_in_dim3A_884 = vector.broadcast %jit3A_883 : i32 to vector<256x128xi32>
    %select_n3A_885 = arith.select %lt3A_881, %broadcast_in_dim3A_884, %select_n3A_872 : vector<256x128xi1>, vector<256x128xi32>
    %reduce_min3A = arith.constant dense<0x7F800000> : vector<256xf32>
    %reduce_min3A_886 = vector.multi_reduction <minimumf>, %select_n3A_305, %reduce_min3A [1] : vector<256x128xf32> to vector<256xf32>
    %add3A_887 = arith.addi %select_n3A_308, %iota3A : vector<256x128xi32>
    %broadcast_in_dim3A_888 = vector.shape_cast %reduce_min3A_886 : vector<256xf32> to vector<256x1xf32>
    %eq3A = vector.broadcast %broadcast_in_dim3A_888 : vector<256x1xf32> to vector<256x128xf32>
    %eq3A_889 = arith.cmpf oeq, %select_n3A_305, %eq3A : vector<256x128xf32>
    %jit3A_890 = arith.constant 8192 : i32
    %broadcast_in_dim3A_891 = vector.broadcast %jit3A_890 : i32 to vector<256x128xi32>
    %select_n3A_892 = arith.select %eq3A_889, %add3A_887, %broadcast_in_dim3A_891 : vector<256x128xi1>, vector<256x128xi32>
    %reduce_min3A_893 = arith.constant dense<2147483647> : vector<256xi32>
    %reduce_min3A_894 = vector.multi_reduction <minsi>, %select_n3A_892, %reduce_min3A_893 [1] : vector<256x128xi32> to vector<256xi32>
    %reduce_min3A_895 = arith.constant dense<0x7F800000> : vector<256xf32>
    %reduce_min3A_896 = vector.multi_reduction <minimumf>, %select_n3A_595, %reduce_min3A_895 [1] : vector<256x128xf32> to vector<256xf32>
    %add3A_897 = arith.addi %select_n3A_598, %iota3A : vector<256x128xi32>
    %broadcast_in_dim3A_898 = vector.shape_cast %reduce_min3A_896 : vector<256xf32> to vector<256x1xf32>
    %eq3A_899 = vector.broadcast %broadcast_in_dim3A_898 : vector<256x1xf32> to vector<256x128xf32>
    %eq3A_900 = arith.cmpf oeq, %select_n3A_595, %eq3A_899 : vector<256x128xf32>
    %jit3A_901 = arith.constant 8192 : i32
    %broadcast_in_dim3A_902 = vector.broadcast %jit3A_901 : i32 to vector<256x128xi32>
    %select_n3A_903 = arith.select %eq3A_900, %add3A_897, %broadcast_in_dim3A_902 : vector<256x128xi1>, vector<256x128xi32>
    %reduce_min3A_904 = arith.constant dense<2147483647> : vector<256xi32>
    %reduce_min3A_905 = vector.multi_reduction <minsi>, %select_n3A_903, %reduce_min3A_904 [1] : vector<256x128xi32> to vector<256xi32>
    %reduce_min3A_906 = arith.constant dense<0x7F800000> : vector<256xf32>
    %reduce_min3A_907 = vector.multi_reduction <minimumf>, %select_n3A_882, %reduce_min3A_906 [1] : vector<256x128xf32> to vector<256xf32>
    %add3A_908 = arith.addi %select_n3A_885, %iota3A : vector<256x128xi32>
    %broadcast_in_dim3A_909 = vector.shape_cast %reduce_min3A_907 : vector<256xf32> to vector<256x1xf32>
    %eq3A_910 = vector.broadcast %broadcast_in_dim3A_909 : vector<256x1xf32> to vector<256x128xf32>
    %eq3A_911 = arith.cmpf oeq, %select_n3A_882, %eq3A_910 : vector<256x128xf32>
    %jit3A_912 = arith.constant 8192 : i32
    %broadcast_in_dim3A_913 = vector.broadcast %jit3A_912 : i32 to vector<256x128xi32>
    %select_n3A_914 = arith.select %eq3A_911, %add3A_908, %broadcast_in_dim3A_913 : vector<256x128xi1>, vector<256x128xi32>
    %reduce_min3A_915 = arith.constant dense<2147483647> : vector<256xi32>
    %reduce_min3A_916 = vector.multi_reduction <minsi>, %select_n3A_914, %reduce_min3A_915 [1] : vector<256x128xi32> to vector<256xi32>
    %broadcast_in_dim3A_917 = arith.constant 0x7F800000 : f32
    %broadcast_in_dim3A_918 = vector.broadcast %broadcast_in_dim3A_917 : f32 to vector<256xf32>
    %broadcast_in_dim3A_919 = arith.constant 0.000000e+00 : f32
    %broadcast_in_dim3A_920 = vector.broadcast %broadcast_in_dim3A_919 : f32 to vector<256xf32>
    %broadcast_in_dim3A_921 = arith.constant 0 : i32
    %broadcast_in_dim3A_922 = vector.broadcast %broadcast_in_dim3A_921 : i32 to vector<256xi32>
    %lt3A_923 = arith.cmpf olt, %broadcast_in_dim3A_918, %reduce_min3A_886 : vector<256xf32>
    %eq3A_924 = arith.cmpf oeq, %broadcast_in_dim3A_918, %reduce_min3A_886 : vector<256xf32>
    %lt3A_925 = arith.cmpi slt, %broadcast_in_dim3A_922, %reduce_min3A_894 : vector<256xi32>
    %and3A_926 = arith.andi %eq3A_924, %lt3A_925 : vector<256xi1>
    %or3A = arith.ori %lt3A_923, %and3A_926 : vector<256xi1>
    %select_n3A_927 = arith.select %or3A, %broadcast_in_dim3A_918, %reduce_min3A_886 : vector<256xi1>, vector<256xf32>
    %select_n3A_928 = arith.select %or3A, %broadcast_in_dim3A_920, %reduce_min3A_886 : vector<256xi1>, vector<256xf32>
    %select_n3A_929 = arith.select %or3A, %broadcast_in_dim3A_922, %reduce_min3A_894 : vector<256xi1>, vector<256xi32>
    %convert_element_type3A_930 = arith.truncf %select_n3A_927 : vector<256xf32> to vector<256xbf16>
    %convert_element_type3A_931 = arith.extf %convert_element_type3A_930 : vector<256xbf16> to vector<256xf32>
    %lt3A_932 = arith.cmpf olt, %convert_element_type3A_931, %reduce_min3A_896 : vector<256xf32>
    %eq3A_933 = arith.cmpf oeq, %convert_element_type3A_931, %reduce_min3A_896 : vector<256xf32>
    %lt3A_934 = arith.cmpi slt, %select_n3A_929, %reduce_min3A_905 : vector<256xi32>
    %and3A_935 = arith.andi %eq3A_933, %lt3A_934 : vector<256xi1>
    %or3A_936 = arith.ori %lt3A_932, %and3A_935 : vector<256xi1>
    %select_n3A_937 = arith.select %or3A_936, %convert_element_type3A_931, %reduce_min3A_896 : vector<256xi1>, vector<256xf32>
    %select_n3A_938 = arith.select %or3A_936, %select_n3A_928, %reduce_min3A_896 : vector<256xi1>, vector<256xf32>
    %select_n3A_939 = arith.select %or3A_936, %select_n3A_929, %reduce_min3A_905 : vector<256xi1>, vector<256xi32>
    %convert_element_type3A_940 = arith.truncf %select_n3A_937 : vector<256xf32> to vector<256xbf16>
    %convert_element_type3A_941 = arith.extf %convert_element_type3A_940 : vector<256xbf16> to vector<256xf32>
    %lt3A_942 = arith.cmpf olt, %convert_element_type3A_941, %reduce_min3A_907 : vector<256xf32>
    %eq3A_943 = arith.cmpf oeq, %convert_element_type3A_941, %reduce_min3A_907 : vector<256xf32>
    %lt3A_944 = arith.cmpi slt, %select_n3A_939, %reduce_min3A_916 : vector<256xi32>
    %and3A_945 = arith.andi %eq3A_943, %lt3A_944 : vector<256xi1>
    %or3A_946 = arith.ori %lt3A_942, %and3A_945 : vector<256xi1>
    %select_n3A_947 = arith.select %or3A_946, %select_n3A_938, %reduce_min3A_907 : vector<256xi1>, vector<256xf32>
    %select_n3A_948 = arith.select %or3A_946, %select_n3A_939, %reduce_min3A_916 : vector<256xi1>, vector<256xi32>
    %reshape3A = vector.shape_cast %select_n3A_948 : vector<256xi32> to vector<1x1x256xi32>
    %swap3A = arith.constant 0 : index
    %swap3A_949 = arith.constant 0 : index
    %swap3A_950 = arith.constant 0 : index
    %swap3A_951 = vector.load %arg5[%swap3A, %swap3A_949, %swap3A_950] : memref<1x1x256xi32, #tpu.memory_space<vmem>>, vector<1x1x256xi32>
    tpu.vector_store %arg5[%swap3A, %swap3A_949, %swap3A_950], %reshape3A {strides = array<i32>} : memref<1x1x256xi32, #tpu.memory_space<vmem>>, vector<1x1x256xi32>,
    %eq3A_952 = arith.constant 0 : i32
    %eq3A_953 = arith.cmpi eq, %arg0, %eq3A_952 : i32
    %convert_element_type3A_954 = arith.extui %eq3A_953 : i1 to i32
    %cond3A = arith.constant 0 : i32
    %cond3A_955 = arith.cmpi ne, %convert_element_type3A_954, %cond3A : i32
    scf.if %cond3A_955 {
      %broadcast_in_dim3A_968 = arith.constant 0.000000e+00 : f32
      %broadcast_in_dim3A_969 = vector.broadcast %broadcast_in_dim3A_968 : f32 to vector<1x1xf32>
      %swap3A_970 = arith.constant 0 : index
      %swap3A_971 = arith.constant 0 : index
      %swap3A_972 = vector.load %arg6[%swap3A_970, %swap3A_971] : memref<1x1xf32, #tpu.memory_space<vmem>>, vector<1x1xf32>
      tpu.vector_store %arg6[%swap3A_970, %swap3A_971], %broadcast_in_dim3A_969 {strides = array<i32>} : memref<1x1xf32, #tpu.memory_space<vmem>>, vector<1x1xf32>,
    } else {
    }
    %get3A_956 = arith.constant 0 : index
    %get3A_957 = arith.constant 0 : index
    %get3A_958 = vector.load %arg6[%get3A_956, %get3A_957] : memref<1x1xf32, #tpu.memory_space<vmem>>, vector<1x1xf32>
    %reduce_sum3A = vector.shape_cast %select_n3A_947 : vector<256xf32> to vector<1x256xf32>
    %reduce_sum3A_959 = arith.constant dense<0.000000e+00> : vector<1xf32>
    %reduce_sum3A_960 = vector.multi_reduction <add>, %reduce_sum3A, %reduce_sum3A_959 [1] : vector<1x256xf32> to vector<1xf32>
    %reduce_sum3A_961 = vector.shape_cast %reduce_sum3A_960 : vector<1xf32> to vector<1x1xf32>
    %reduce_sum3A_962 = vector.extract %reduce_sum3A_961[0, 0] : f32 from vector<1x1xf32>
    %broadcast_in_dim3A_963 = vector.broadcast %reduce_sum3A_962 : f32 to vector<1x1xf32>
    %add3A_964 = arith.addf %get3A_958, %broadcast_in_dim3A_963 : vector<1x1xf32>
    %swap3A_965 = arith.constant 0 : index
    %swap3A_966 = arith.constant 0 : index
    %swap3A_967 = vector.load %arg6[%swap3A_965, %swap3A_966] : memref<1x1xf32, #tpu.memory_space<vmem>>, vector<1x1xf32>
    tpu.vector_store %arg6[%swap3A_965, %swap3A_966], %add3A_964 {strides = array<i32>} : memref<1x1xf32, #tpu.memory_space<vmem>>, vector<1x1xf32>,
    return
  }
  func.func @transform_0(%arg0: i32) -> (i32, i32) {
    %c0_i32 = arith.constant 0 : i32
    %c0_i32_0 = arith.constant 0 : i32
    return %arg0, %c0_i32 : i32, i32
  }
  func.func @transform_1(%arg0: i32) -> (i32, i32) {
    %c0_i32 = arith.constant 0 : i32
    %c0_i32_0 = arith.constant 0 : i32
    return %arg0, %c0_i32 : i32, i32
  }
  func.func @transform_2(%arg0: i32) -> (i32, i32) {
    %c0_i32 = arith.constant 0 : i32
    %c0_i32_0 = arith.constant 0 : i32
    %c0_i32_1 = arith.constant 0 : i32
    return %c0_i32, %c0_i32_0 : i32, i32
  }
  func.func @transform_3(%arg0: i32) -> (i32, i32) {
    %c0_i32 = arith.constant 0 : i32
    %c0_i32_0 = arith.constant 0 : i32
    %c0_i32_1 = arith.constant 0 : i32
    return %c0_i32, %c0_i32_0 : i32, i32
  }
  func.func @transform_4(%arg0: i32) -> (i32, i32, i32) {
    %c0_i32 = arith.constant 0 : i32
    %c0_i32_0 = arith.constant 0 : i32
    %c0_i32_1 = arith.constant 0 : i32
    return %arg0, %c0_i32, %c0_i32_0 : i32, i32, i32
  }
  func.func @transform_5(%arg0: i32) -> (i32, i32) {
    %c0_i32 = arith.constant 0 : i32
    %c0_i32_0 = arith.constant 0 : i32
    %c0_i32_1 = arith.constant 0 : i32
    return %c0_i32, %c0_i32_0 : i32, i32
  }
}

</mosaic_0001>

<sc_bundles>
// kernel: kernel.4.cloned.1.call-start
scs
__scs_entry_jumppad:
0x0: {  	(pc) =	sbr.rel $0x88, $3  }
0x1: {  	(tag) =	ssettag $0x0;
	lr =	simm.s32 $0x1  }
0x2: {  	[smem:$0x3F9F] =	sst lr;
	_ =	strace $0xD0000000  }
0x3: {  	_ = 	snop  }
0x4: {  	_ = 	snop  }
0x5: {  	_ = 	snop  }
0x6: {  	_ = 	snop  }
0x7: {  	_ = 	snop  }
__scs_overlays_trampoline_lowered:
0x8: {  	[smem:$0x3FAE] =	sst s0  }
0x9: {  	[smem:$0x3FAF] =	sst s1  }
0xa: {  	[smem:$0x3FB0] =	sst s2  }
0xb: {  	[smem:$0x3FB1] =	sst s3  }
0xc: {  	[smem:$0x3FB2] =	sst s4  }
0xd: {  	[smem:$0x3FB3] =	sst s5  }
0xe: {  	[smem:$0x3FB4] =	sst s6  }
0xf: {  	[smem:$0x3FB5] =	sst s7  }
0x10: {  	[smem:$0x3FB6] =	sst s8  }
0x11: {  	[smem:$0x3FB7] =	sst s9;
	s0 =	simm.s32 @!p0 $0x0  }
0x12: {  	s1 =	sld [smem:$0x3F9D];
	s0 =	simm.s32 @p0 $0x1  }
0x13: {  	[smem:$0x3FB8] =	sst s0;
	s0 =	simm.s32 @!p1 $0x0  }
0x14: {  	s2 =	sld [smem:$0x3F9C];
	s0 =	simm.s32 @p1 $0x1  }
0x15: {  	[smem:$0x3FB9] =	sst s0;
	s0 =	simm.s32 @!p2 $0x0  }
0x16: {  	s3 =	sld [smem:$0x3FDB];
	s0 =	simm.s32 @p2 $0x1  }
0x17: {  	s4 =	simm.s32 $0x1BF5;
	[smem:$0x3FBB] =	sst s0  }
0x18: {  	s0 =	sld [smem:$0x3F9E];
	_ =	swait.ge [sflag:s4], $0x0  }
0x19: {  	s7 =	sld [smem:$0x3F9F]  }
0x1a: {  	s8 =	sadd.s32 $0xFFFFE003, lr  }
0x1b: {  	s9 =	sadd.s32 $0xFFFFFEF7, lr;
	s5 =	simm.s32 $0xFFFFFFFF;
	p2 =	slt.u32 s8, $0xFFFFF086  }
0x1c: {  	p1 =	slt.u32 s9, $0xF7A;
	s5 =	simm.s32 @!p2 $0x0  }
0x1d: {  	s5 =	simm.s32 @p1 $0x1;
	p0 =	seq.s32 s7, s2  }
0x1e: {  	s7 =	smul.u32 @!p0 $0xF7A, s2;
	p2 =	seq.s32 @!p0 s5, $0x0  }
0x1f: {  	s9 =	smul.u32 $0xF7A, s1;
	s8 =	simm.s32 @!p0 $0x1BF5;
	p2 =	por !p2, p0  }
0x20: {  	[sflag:s8] =	ssyncset.s32 @!p0 $0xFFFFF086;
	s6 =	sadd.s32 @!p0 s3, s7;
	s7 =	simm.s32 @!p0 $0x108  }
0x21: {  	s3 =	sadd.s32 s3, s9;
	s6 =	sadd.s32 @!p0 $0x88, s6;
	s7 =	simm.s32 @p2 $0x1082  }
0x22: {  	[simem:s7], [sflag:s8] =	dma.local @!p0 [hbm:s6], $0xF7A  }
0x23: {  	s9 =	sor.u32 $0xD0000000, s2;
	s6 =	simm.s32 $0x108;
	_ =	swait.ge @!p0 [sflag:s8], $0x0  }
0x24: {  	s3 =	sadd.s32 $0x88, s3;
	s6 =	simm.s32 @!p1 $0x1082;
	[sflag:s4] =	ssyncset.s32 $0xFFFFF086  }
0x25: {  	[simem:s6], [sflag:s4] =	dma.local [hbm:s3], $0xF7A  }
0x26: {  	[smem:$0x3F9F] =	sst s1;
	(tag) =	ssettag s2;
	_ =	strace s9  }
0x27: {  	s1 =	sld [smem:$0x3FAF]  }
0x28: {  	s2 =	sld [smem:$0x3FB0]  }
0x29: {  	s4 =	sld [smem:$0x3FB2]  }
0x2a: {  	p0 =	seq.s32 s5, $0x0;
	s5 =	sld [smem:$0x3FB3]  }
0x2b: {  	s6 =	sld [smem:$0x3FB4]  }
0x2c: {  	s7 =	sld [smem:$0x3FB5]  }
0x2d: {  	s3 =	simm.s32 $0x108;
	s8 =	sld [smem:$0x3FB6]  }
0x2e: {  	s3 =	simm.s32 @!p0 $0x1082;
	s9 =	sld [smem:$0x3FB7]  }
0x2f: {  	lr =	sadd.s32 s0, s3;
	s0 =	sld [smem:$0x3FAE]  }
0x30: {  	s3 =	sld [smem:$0x3FB1]  }
0x31: {  	[smem:$0x3FBA] =	sst s10  }
0x32: {  	s10 =	sld [smem:$0x3FB8];
	_ =	sdelay $0x3  }
0x33: {  	p0 =	seq.s32 s10, $0x1;
	s10 =	sld [smem:$0x3FBA];
	_ =	sdelay $0x3  }
0x34: {  	[smem:$0x3FBA] =	sst s10  }
0x35: {  	s10 =	sld [smem:$0x3FB9];
	_ =	sdelay $0x3  }
0x36: {  	p1 =	seq.s32 s10, $0x1;
	s10 =	sld [smem:$0x3FBA];
	_ =	sdelay $0x3  }
0x37: {  	[smem:$0x3FBA] =	sst s10  }
0x38: {  	s10 =	sld [smem:$0x3FBB]  }
0x39: {  	_ = 	snop;
	(pc) =	sbr.ind lr, $3  }
0x3a: {  	_ = 	snop  }
0x3b: {  	_ = 	snop  }
0x3c: {  	p2 =	seq.s32 s10, $0x1;
	s10 =	sld [smem:$0x3FBA]  }
0x3d: {  	_ =	shalt  }
0x3e: {  	_ =	shalt  }
0x3f: {  	_ =	shalt  }
0x40: {  	_ =	shalt  }
0x41: {  	_ =	shalt  }
0x42: {  	_ =	shalt  }
0x43: {  	_ =	shalt  }
0x44: {  	_ =	shalt  }
0x45: {  	_ =	shalt  }
0x46: {  	_ =	shalt  }
0x47: {  	_ =	shalt  }
0x48: {  	_ =	shalt  }
0x49: {  	_ =	shalt  }
0x4a: {  	_ =	shalt  }
0x4b: {  	_ =	shalt  }
0x4c: {  	_ =	shalt  }
0x4d: {  	_ =	shalt  }
0x4e: {  	_ =	shalt  }
0x4f: {  	_ =	shalt  }
0x50: {  	_ =	shalt  }
0x51: {  	_ =	shalt  }
0x52: {  	_ =	shalt  }
0x53: {  	_ =	shalt  }
0x54: {  	_ =	shalt  }
0x55: {  	_ =	shalt  }
0x56: {  	_ =	shalt  }
0x57: {  	_ =	shalt  }
0x58: {  	_ =	shalt  }
0x59: {  	_ =	shalt  }
0x5a: {  	_ =	shalt  }
0x5b: {  	_ =	shalt  }
0x5c: {  	_ =	shalt  }
0x5d: {  	_ =	shalt  }
0x5e: {  	_ =	shalt  }
0x5f: {  	_ =	shalt  }
0x60: {  	_ =	shalt  }
0x61: {  	_ =	shalt  }
0x62: {  	_ =	shalt  }
0x63: {  	_ =	shalt  }
0x64: {  	_ =	shalt  }
0x65: {  	_ =	shalt  }
0x66: {  	_ =	shalt  }
0x67: {  	_ =	shalt  }
0x68: {  	_ =	shalt  }
0x69: {  	_ =	shalt  }
0x6a: {  	_ =	shalt  }
0x6b: {  	_ =	shalt  }
0x6c: {  	_ =	shalt  }
0x6d: {  	_ =	shalt  }
0x6e: {  	_ =	shalt  }
0x6f: {  	_ =	shalt  }
0x70: {  	_ =	shalt  }
0x71: {  	_ =	shalt  }
0x72: {  	_ =	shalt  }
0x73: {  	_ =	shalt  }
0x74: {  	_ =	shalt  }
0x75: {  	_ =	shalt  }
0x76: {  	_ =	shalt  }
0x77: {  	_ =	shalt  }
0x78: {  	_ =	shalt  }
0x79: {  	_ =	shalt  }
0x7a: {  	_ =	shalt  }
0x7b: {  	_ =	shalt  }
0x7c: {  	_ =	shalt  }
0x7d: {  	_ =	shalt  }
0x7e: {  	_ =	shalt  }
0x7f: {  	_ =	shalt  }
0x80: {  	_ =	shalt  }
0x81: {  	_ =	shalt  }
0x82: {  	_ =	shalt  }
0x83: {  	_ =	shalt  }
0x84: {  	_ =	shalt  }
0x85: {  	_ =	shalt  }
0x86: {  	_ =	shalt  }
0x87: {  	_ =	shalt  }
.Lfunc_end0:
.L_simem_size_0:
called_computation_lowered:
.L_overlay_start_0:
0x88: {  	s2 =	sld [smem:$0x3FD9]  }
0x89: {  	s3 =	sld [smem:$0x3FFE];
	_ =	sdelay $0x1  }
0x8a: {  	s1 =	srdreg.scid  }
0x8b: {  	s0 =	sand.u32 $0x1, s1  }
0x8c: {  	s15 =	sshll.u32 s0, $0xA;
	s2 =	sadd.s32 s3, s2  }
0x8d: {  	s2 =	sadd.s32 s2, s15  }
0x8e: {  	[smem:$0x3FC6] =	sst s2  }
0x8f: {  	_ = 	snop  }
0x90: {  	s2 =	sld [smem:$0x3FD0];
	_ =	sdelay $0x2  }
0x91: {  	s4 =	simm.s32 $0xA;
	s5 =	simm.s32 $0x10;
	s16 =	sld [smem:$0x3FC8]  }
0x92: {  	[smem:s5], [sflag:s4] =	dma.local [hbm:s2], $0x1  }
0x93: {  	_ =	swait.eq [sflag:s4], $0x1  }
0x94: {  	[sflag:s4] =	ssyncset.done $0x0  }
0x95: {  	s17 =	sld [smem:$0x11];
	[sflag:s4] =	ssyncadd.s32 $0xFFFFFFFF  }
0x96: {  	s18 =	sld [smem:$0x12];
	(tm) =	ssettm $0x1  }
0x97: {  	s19 =	sld [smem:$0x3FFB];
	_ =	sdelay $0x3  }
0x98: {  	_ =	strace s19  }
0x99: {  	s5 =	sld [smem:$0x3FFC];
	_ =	sdelay $0x3  }
0x9a: {  	_ =	strace s5  }
0x9b: {  	s5 =	sld [smem:$0x3FFD];
	_ =	sdelay $0x3  }
0x9c: {  	_ =	strace s5  }
0x9d: {  	_ =	strace $0x8FFFFFFF  }
0x9e: {  	s20 =	sld [smem:$0x3FDB];
	_ =	sdelay $0x1  }
0x9f: {  	s6 =	simm.s32 $_scs_section_size  }
0xa0: {  	s7 =	simm.s32 $_size__tile_overlayer_lowered;
	s8 =	simm.s32 $_tile_overlayer_lowered  }
0xa1: {  	s23 =	simm.s32 $0x1BFF;
	s22 =	sshll.u32 s8, $0x1;
	s5 =	sadd.s32 s6, s20  }
0xa2: {  	s9 =	simm.s32 $0x0;
	s21 =	sshll.u32 s7, $0x1;
	s7 =	sadd.s32 s22, s5  }
0xa3: {  	[timem:s9], [sflag:s23] =	dma.local [hbm:s7], s21  }
0xa4: {  	_ =	swait.ge [sflag:s23], s21  }
0xa5: {  	s6 =	ssub.s32 $0x0, s21;
	[sflag:s23] =	ssyncset.done $0x0  }
0xa6: {  	[sflag:s23] =	ssyncadd.s32 s6;
	_ =	sdelay $0x1  }
0xa7: {  	s24 =	simm.s32 $0x1B8B  }
0xa8: {  	_ =	swait.ge [sflag:s24], $0x1  }
0xa9: {  	[sflag:s24] =	ssyncset.done $0x0  }
0xaa: {  	s25 =	simm.s32 $0x1B8E;
	[sflag:s24] =	ssyncadd.s32 $0xFFFFFFFF  }
0xab: {  	s26 =	simm.s32 $execute0_lowered;
	[smem:$0x3FD2] =	sst s25  }
0xac: {  	s6 =	sshll.u32 s26, $0x1;
	_ =	strace $0x80000046;
	[dreg:$0x1] =	wrdreg $0xFFFFFFFF  }
0xad: {  	s28 =	simm.s32 $_size_execute0_lowered;
	s5 =	sadd.s32 s5, s6;
	[dreg:$0x0] =	wrdreg $0x0  }
0xae: {  	s6 =	sshll.u32 s28, $0x1;
	[dreg:$0x2] =	wrdreg s5  }
0xaf: {  	[dreg:$0x3] =	wrdreg s6  }
0xb0: {  	[dreg:$0x4] =	wrdreg $0xC0  }
0xb1: {  	_ =	task [dreg:s9], $0x5FFFF  }
0xb2: {  	[dreg:$0x1] =	wrdreg $0xFFFFFFFF  }
0xb3: {  	[dreg:$0x0] =	wrdreg $0x60  }
0xb4: {  	[dreg:$0x2] =	wrdreg s16  }
0xb5: {  	[dreg:$0x3] =	wrdreg s18  }
0xb6: {  	[dreg:$0x4] =	wrdreg s17  }
0xb7: {  	[dreg:$0x5] =	wrdreg $0x9  }
0xb8: {  	_ =	task.clear_ibuf [dreg:s9], $0x6FFFF;
	_ =	strace $0x90000046  }
0xb9: {  	s29 =	simm.s32 $0x9;
	_ =	strace $0x80000048  }
0xba: {  	_ =	swait.ge [sflag:s29], $0x1  }
0xbb: {  	[sflag:s29] =	ssyncadd.s32 $0xFFFFFFFF  }
0xbc: {  	_ =	strace $0x90000048  }
0xbd: {  	_ =	sfence  }
0xbe: {  	s30 =	sld [smem:$0x0];
	_ =	sdelay $0x2  }
0xbf: {  	s31 =	sshll.u32 s1, $0xD;
	s1 =	sshrl.u32 s1, $0x2  }
0xc0: {  	s3 =	sand.u32 $0x4000, s31;
	s1 =	sadd.s32 s1, s30  }
0xc1: {  	s0 =	sor.u32 s3, s0;
	s1 =	sshll.u32 s1, $0x11  }
0xc2: {  	s0 =	sor.u32 s1, s0  }
0xc3: {  	s0 =	sadd.s32 $0x8F2B, s0  }
0xc4: {  	[sflag:s0] =	ssyncadd.remote.s32 $0x1  }
0xc5: {  	_ =	sfence.sel $0xFFFF  }
0xc6: {  	[dreg:$0x0] =	wrdreg $0xFFFFFFFF;
	(pc) =	sbr.abs _section_cstart, $3  }
0xc7: {  	[dreg:$0x1] =	wrdreg $0xFFFFFFFF  }
0xc8: {  	_ =	task.clear_ibuf [dreg:s9], $0x2FFFF;
	_ =	strace $0x9FFFFFFF  }
0xc9: {  	(tm) =	ssettm $0x7FFFFFFF  }
tec
execute0_lowered:
.L_overlay_start_1:
0x0: {  	(tag) =	ssettag $0x1  }
0x1: {  	s1 =	rddreg [dreg:$0x0]  }
0x2: {  	s0 =	srdreg.scid;
	s2 =	rddreg [dreg:$0x1]  }
0x3: {  	s3 =	stileid.u32;
	s4 =	rddreg [dreg:$0x2];
	s7 =	simm.s32 $0x3  }
0x4: {  	s18 =	simm.s32 $0x5;
	s15 =	simm.s32 $0x200;
	s28 =	simm.s32 $0x1200  }
0x5: {  	s29 =	simm.s32 $0x1A00;
	s30 =	simm.s32 $0x2200;
	s31 =	simm.s32 $0x2A00  }
0x6: {  	s9 =	simm.s32 $0x3A00;
	s10 =	simm.s32 $0x4A00;
	s0 =	sand.u32 $0x1, s0  }
0x7: {  	s11 =	simm.s32 $0x5200;
	s5 =	sshll.u32 s3, $0xA;
	s6 =	sshll.u32 s0, $0x9  }
0x8: {  	s12 =	simm.s32 $0x5A00;
	s13 =	simm.s32 $0x6200;
	s5 =	sor.u32 s6, s5  }
0x9: {  	s14 =	simm.s32 $0x6A00;
	s3 =	simm.s32 $0x0;
	s6 =	sshrl.u32 s5, $0x3  }
0xa: {  	[smem:$0x7FF] =	sst s3;
	s5 =	sshll.u32 s5, $0x5;
	s2 =	sadd.s32 s2, s6  }
0xb: {  	_ =	strace $0x80000047;
	s4 =	sadd.s32 s4, s5;
	[dreg:$0x4] =	wrdreg s2  }
0xc: {  	s16 =	simm.s32 $0x7200;
	s19 =	sadd.s32 $0x800, s4;
	[dreg:$0xc] =	wrdreg s4  }
0xd: {  	s8 =	simm.s32 $0x8200;
	s20 =	sadd.s32 $0x1000, s4;
	[dreg:$0x5] =	wrdreg s19  }
0xe: {  	s17 =	simm.s32 $0x2;
	s21 =	sadd.s32 $0x1800, s4;
	[dreg:$0x6] =	wrdreg s20  }
0xf: {  	s0 =	ssub.s32 $0x2, s0;
	s22 =	sadd.s32 $0x2000, s4;
	[dreg:$0x7] =	wrdreg s21  }
0x10: {  	s25 =	sshrl.u32 s0, $0x1;
	s23 =	sadd.s32 $0x2800, s4;
	[dreg:$0x8] =	wrdreg s22  }
0x11: {  	s0 =	ssub.s32 s0, s25;
	s24 =	sadd.s32 $0x3000, s4;
	[dreg:$0x9] =	wrdreg s23  }
0x12: {  	s5 =	smax.u32 s0, $0x1;
	s26 =	sadd.s32 $0x3800, s4;
	[dreg:$0xa] =	wrdreg s24  }
0x13: {  	v2 =	vlaneseq.u32;
	s4 =	simm.s32 $0x7A00;
	[dreg:$0xb] =	wrdreg s26;
	s19 =	simm.s32 $0x4  }
0x14: {  	vm0 =	vmmov $0xffff;
	v1 =	vshrl.u32 v2, $0x3;
	s20 =	simm.s32 $0x6;
	s21 =	simm.s32 $0x7;
	s22 =	simm.s32 $0x8  }
0x15: {  	v0 =	vand.u32 $0x7, v2;
	v2 =	vor.u32 $0x8, v2;
	v1 =	vmul.u32 $0x8, v1;
	s26 =	simm.s32 $0xA00;
	s24 =	simm.s32 $0x4200;
	s23 =	simm.s32 $0x9A00  }
.LBB2_1:
0x16: {  	s25 =	rddreg [dreg:$0x4];
	s2 =	simm.s32 $0x9  }
0x17: {  	[tilespmem:s3], [sflag:$0x9] =	stream.linear.gather [hbm4b:s25+s3], $0x200, $0x38;
	[tilespmem:$0x10200] =	vst v63  }
0x18: {  	_ =	swait.ge [sflag:s2], $0x200  }
0x19: {  	[sflag:s2] =	ssyncset.done $0x0  }
0x1a: {  	[sflag:s2] =	ssyncadd.s32 $0xFFFFFE00  }
0x1b: {  	v3 =	vld [tilespmem:$0x0];
	_ =	sdelay $0x4  }
0x1c: {  	v4 =	vshll.u32 v3, $0x1  }
0x1d: {  	v3 =	vand.u32 $0x7, v3;
	v4 =	vand.u32 $0xFFFFFFF0, v4  }
0x1e: {  	v3 =	vor.u32 v3, v4  }
0x1f: {  	v4 =	vperm.xlane v3, v0;
	_ =	sdelay $0x1  }
0x20: {  	v3 =	vperm.xlane v3, v2;
	v4 =	vadd.s32 v1, v4;
	_ =	sdelay $0x1  }
0x21: {  	v3 =	vadd.s32 v1, v3;
	_ =	sdelay $0x2  }
0x22: {  	[tilespmem:s15], [sflag:$0x1] =	stream.indirect_vreg.gather [hbm4b:s1+s3], $0x80, v4, vm0, $0xb8;
	[tilespmem:$0x10200] =	vst v63  }
0x23: {  	_ = 	snop  }
0x24: {  	[tilespmem:s26], [sflag:$0x1] =	stream.indirect_vreg.gather [hbm4b:s1+s3], $0x80, v3, vm0, $0xb8;
	[tilespmem:$0x10200] =	vst v63  }
0x25: {  	v3 =	vld [tilespmem:$0x10];
	_ =	sdelay $0x4  }
0x26: {  	v33 =	vshll.u32 v3, $0x1  }
0x27: {  	v3 =	vand.u32 $0x7, v3;
	v4 =	vand.u32 $0xFFFFFFF0, v33  }
0x28: {  	v3 =	vor.u32 v3, v4  }
0x29: {  	v4 =	vperm.xlane v3, v0;
	_ =	sdelay $0x1  }
0x2a: {  	v3 =	vperm.xlane v3, v2;
	v4 =	vadd.s32 v1, v4;
	_ =	sdelay $0x1  }
0x2b: {  	v3 =	vadd.s32 v1, v3;
	_ =	sdelay $0x2  }
0x2c: {  	[tilespmem:s28], [sflag:$0x1] =	stream.indirect_vreg.gather [hbm4b:s1+s3], $0x80, v4, vm0, $0xb8;
	[tilespmem:$0x10200] =	vst v63  }
0x2d: {  	_ = 	snop  }
0x2e: {  	[tilespmem:s29], [sflag:$0x1] =	stream.indirect_vreg.gather [hbm4b:s1+s3], $0x80, v3, vm0, $0xb8;
	[tilespmem:$0x10200] =	vst v63  }
0x2f: {  	v3 =	vld [tilespmem:$0x20];
	_ =	sdelay $0x4  }
0x30: {  	v34 =	vshll.u32 v3, $0x1  }
0x31: {  	v3 =	vand.u32 $0x7, v3;
	v4 =	vand.u32 $0xFFFFFFF0, v34  }
0x32: {  	v3 =	vor.u32 v3, v4  }
0x33: {  	v4 =	vperm.xlane v3, v0;
	_ =	sdelay $0x1  }
0x34: {  	v3 =	vperm.xlane v3, v2;
	v4 =	vadd.s32 v1, v4;
	_ =	sdelay $0x1  }
0x35: {  	v3 =	vadd.s32 v1, v3;
	_ =	sdelay $0x2  }
0x36: {  	[tilespmem:s30], [sflag:$0x1] =	stream.indirect_vreg.gather [hbm4b:s1+s3], $0x80, v4, vm0, $0xb8;
	[tilespmem:$0x10200] =	vst v63  }
0x37: {  	_ = 	snop  }
0x38: {  	[tilespmem:s31], [sflag:$0x1] =	stream.indirect_vreg.gather [hbm4b:s1+s3], $0x80, v3, vm0, $0xb8;
	[tilespmem:$0x10200] =	vst v63  }
0x39: {  	v3 =	vld [tilespmem:$0x30];
	_ =	sdelay $0x4  }
0x3a: {  	v35 =	vshll.u32 v3, $0x1  }
0x3b: {  	v3 =	vand.u32 $0x7, v3;
	v4 =	vand.u32 $0xFFFFFFF0, v35  }
0x3c: {  	v3 =	vor.u32 v3, v4  }
0x3d: {  	v4 =	vperm.xlane v3, v0;
	_ =	sdelay $0x1  }
0x3e: {  	v3 =	vperm.xlane v3, v2;
	v4 =	vadd.s32 v1, v4;
	_ =	sdelay $0x1  }
0x3f: {  	v3 =	vadd.s32 v1, v3;
	_ =	sdelay $0x1  }
0x40: {  	s2 =	simm.s32 $0x3200  }
0x41: {  	[tilespmem:s2], [sflag:$0x1] =	stream.indirect_vreg.gather [hbm4b:s1+s3], $0x80, v4, vm0, $0xb8;
	[tilespmem:$0x10200] =	vst v63  }
0x42: {  	_ = 	snop  }
0x43: {  	[tilespmem:s9], [sflag:$0x1] =	stream.indirect_vreg.gather [hbm4b:s1+s3], $0x80, v3, vm0, $0xb8;
	[tilespmem:$0x10200] =	vst v63  }
0x44: {  	v3 =	vld [tilespmem:$0x40];
	_ =	sdelay $0x4  }
0x45: {  	v36 =	vshll.u32 v3, $0x1  }
0x46: {  	v3 =	vand.u32 $0x7, v3;
	v4 =	vand.u32 $0xFFFFFFF0, v36  }
0x47: {  	v3 =	vor.u32 v3, v4  }
0x48: {  	v4 =	vperm.xlane v3, v0;
	_ =	sdelay $0x1  }
0x49: {  	v3 =	vperm.xlane v3, v2;
	v4 =	vadd.s32 v1, v4;
	_ =	sdelay $0x1  }
0x4a: {  	v3 =	vadd.s32 v1, v3;
	_ =	sdelay $0x2  }
0x4b: {  	[tilespmem:s24], [sflag:$0x2] =	stream.indirect_vreg.gather [hbm4b:s1+s3], $0x80, v4, vm0, $0xb8;
	[tilespmem:$0x10200] =	vst v63  }
0x4c: {  	_ = 	snop  }
0x4d: {  	[tilespmem:s10], [sflag:$0x2] =	stream.indirect_vreg.gather [hbm4b:s1+s3], $0x80, v3, vm0, $0xb8;
	[tilespmem:$0x10200] =	vst v63  }
0x4e: {  	v3 =	vld [tilespmem:$0x50];
	_ =	sdelay $0x4  }
0x4f: {  	v37 =	vshll.u32 v3, $0x1  }
0x50: {  	v3 =	vand.u32 $0x7, v3;
	v4 =	vand.u32 $0xFFFFFFF0, v37  }
0x51: {  	v3 =	vor.u32 v3, v4  }
0x52: {  	v4 =	vperm.xlane v3, v0;
	_ =	sdelay $0x1  }
0x53: {  	v3 =	vperm.xlane v3, v2;
	v4 =	vadd.s32 v1, v4;
	_ =	sdelay $0x1  }
0x54: {  	v3 =	vadd.s32 v1, v3;
	_ =	sdelay $0x2  }
0x55: {  	[tilespmem:s11], [sflag:$0x2] =	stream.indirect_vreg.gather [hbm4b:s1+s3], $0x80, v4, vm0, $0xb8;
	[tilespmem:$0x10200] =	vst v63  }
0x56: {  	_ = 	snop  }
0x57: {  	[tilespmem:s12], [sflag:$0x2] =	stream.indirect_vreg.gather [hbm4b:s1+s3], $0x80, v3, vm0, $0xb8;
	[tilespmem:$0x10200] =	vst v63  }
0x58: {  	v3 =	vld [tilespmem:$0x60];
	_ =	sdelay $0x4  }
0x59: {  	v38 =	vshll.u32 v3, $0x1  }
0x5a: {  	v3 =	vand.u32 $0x7, v3;
	v4 =	vand.u32 $0xFFFFFFF0, v38  }
0x5b: {  	v3 =	vor.u32 v3, v4  }
0x5c: {  	v4 =	vperm.xlane v3, v0;
	_ =	sdelay $0x1  }
0x5d: {  	v3 =	vperm.xlane v3, v2;
	v4 =	vadd.s32 v1, v4;
	_ =	sdelay $0x1  }
0x5e: {  	v3 =	vadd.s32 v1, v3;
	_ =	sdelay $0x2  }
0x5f: {  	[tilespmem:s13], [sflag:$0x2] =	stream.indirect_vreg.gather [hbm4b:s1+s3], $0x80, v4, vm0, $0xb8;
	[tilespmem:$0x10200] =	vst v63  }
0x60: {  	_ = 	snop  }
0x61: {  	[tilespmem:s14], [sflag:$0x2] =	stream.indirect_vreg.gather [hbm4b:s1+s3], $0x80, v3, vm0, $0xb8;
	[tilespmem:$0x10200] =	vst v63  }
0x62: {  	v3 =	vld [tilespmem:$0x70];
	_ =	sdelay $0x4  }
0x63: {  	v39 =	vshll.u32 v3, $0x1  }
0x64: {  	v3 =	vand.u32 $0x7, v3;
	v4 =	vand.u32 $0xFFFFFFF0, v39  }
0x65: {  	v3 =	vor.u32 v3, v4  }
0x66: {  	v4 =	vperm.xlane v3, v0;
	_ =	sdelay $0x1  }
0x67: {  	v3 =	vperm.xlane v3, v2;
	v4 =	vadd.s32 v1, v4;
	_ =	sdelay $0x1  }
0x68: {  	v3 =	vadd.s32 v1, v3;
	_ =	sdelay $0x2  }
0x69: {  	[tilespmem:s16], [sflag:$0x2] =	stream.indirect_vreg.gather [hbm4b:s1+s3], $0x80, v4, vm0, $0xb8;
	[tilespmem:$0x10200] =	vst v63  }
0x6a: {  	s0 =	simm.s32 $0x1  }
0x6b: {  	[tilespmem:s4], [sflag:$0x2] =	stream.indirect_vreg.gather [hbm4b:s1+s3], $0x80, v3, vm0, $0xb8;
	[tilespmem:$0x10200] =	vst v63  }
0x6c: {  	_ =	swait.ge [sflag:s0], $0x4000  }
0x6d: {  	[sflag:s0] =	ssyncset.done $0x0  }
0x6e: {  	s6 =	rddreg [dreg:$0xc];
	[sflag:s0] =	ssyncadd.s32 $0xFFFFC000  }
0x6f: {  	[hbm4b:s6+s3] =	stream.linear.scatter [tilespmem:s15], [sflag:$0x5], $0x4000, $0x38;
	[tilespmem:$0x10200] =	vst v63  }
0x70: {  	v3 =	vld [tilespmem:$0x80];
	_ =	sdelay $0x4  }
0x71: {  	v40 =	vshll.u32 v3, $0x1  }
0x72: {  	v3 =	vand.u32 $0x7, v3;
	v4 =	vand.u32 $0xFFFFFFF0, v40  }
0x73: {  	v3 =	vor.u32 v3, v4  }
0x74: {  	v4 =	vperm.xlane v3, v0;
	_ =	sdelay $0x1  }
0x75: {  	v3 =	vperm.xlane v3, v2;
	v4 =	vadd.s32 v1, v4;
	_ =	sdelay $0x1  }
0x76: {  	v3 =	vadd.s32 v1, v3;
	_ =	sdelay $0x2  }
0x77: {  	[tilespmem:s8], [sflag:$0x3] =	stream.indirect_vreg.gather [hbm4b:s1+s3], $0x80, v4, vm0, $0xb8;
	[tilespmem:$0x10200] =	vst v63  }
0x78: {  	s6 =	simm.s32 $0x8A00  }
0x79: {  	[tilespmem:s6], [sflag:$0x3] =	stream.indirect_vreg.gather [hbm4b:s1+s3], $0x80, v3, vm0, $0xb8;
	[tilespmem:$0x10200] =	vst v63  }
0x7a: {  	v3 =	vld [tilespmem:$0x90];
	_ =	sdelay $0x4  }
0x7b: {  	v41 =	vshll.u32 v3, $0x1  }
0x7c: {  	v3 =	vand.u32 $0x7, v3;
	v4 =	vand.u32 $0xFFFFFFF0, v41  }
0x7d: {  	v3 =	vor.u32 v3, v4  }
0x7e: {  	v4 =	vperm.xlane v3, v0;
	_ =	sdelay $0x1  }
0x7f: {  	v3 =	vperm.xlane v3, v2;
	v4 =	vadd.s32 v1, v4;
	_ =	sdelay $0x1  }
0x80: {  	v3 =	vadd.s32 v1, v3;
	_ =	sdelay $0x1  }
0x81: {  	s25 =	simm.s32 $0x9200  }
0x82: {  	[tilespmem:s25], [sflag:$0x3] =	stream.indirect_vreg.gather [hbm4b:s1+s3], $0x80, v4, vm0, $0xb8;
	[tilespmem:$0x10200] =	vst v63  }
0x83: {  	_ = 	snop  }
0x84: {  	[tilespmem:s23], [sflag:$0x3] =	stream.indirect_vreg.gather [hbm4b:s1+s3], $0x80, v3, vm0, $0xb8;
	[tilespmem:$0x10200] =	vst v63  }
0x85: {  	v3 =	vld [tilespmem:$0xA0];
	_ =	sdelay $0x4  }
0x86: {  	v42 =	vshll.u32 v3, $0x1  }
0x87: {  	v3 =	vand.u32 $0x7, v3;
	v4 =	vand.u32 $0xFFFFFFF0, v42  }
0x88: {  	v3 =	vor.u32 v3, v4  }
0x89: {  	v4 =	vperm.xlane v3, v0;
	_ =	sdelay $0x1  }
0x8a: {  	v3 =	vperm.xlane v3, v2;
	v4 =	vadd.s32 v1, v4;
	_ =	sdelay $0x1  }
0x8b: {  	v3 =	vadd.s32 v1, v3;
	_ =	sdelay $0x1  }
0x8c: {  	s25 =	simm.s32 $0xA200  }
0x8d: {  	[tilespmem:s25], [sflag:$0x3] =	stream.indirect_vreg.gather [hbm4b:s1+s3], $0x80, v4, vm0, $0xb8;
	[tilespmem:$0x10200] =	vst v63  }
0x8e: {  	s25 =	simm.s32 $0xAA00  }
0x8f: {  	[tilespmem:s25], [sflag:$0x3] =	stream.indirect_vreg.gather [hbm4b:s1+s3], $0x80, v3, vm0, $0xb8;
	[tilespmem:$0x10200] =	vst v63  }
0x90: {  	v3 =	vld [tilespmem:$0xB0];
	_ =	sdelay $0x4  }
0x91: {  	v43 =	vshll.u32 v3, $0x1  }
0x92: {  	v3 =	vand.u32 $0x7, v3;
	v4 =	vand.u32 $0xFFFFFFF0, v43  }
0x93: {  	v3 =	vor.u32 v3, v4  }
0x94: {  	v4 =	vperm.xlane v3, v0;
	_ =	sdelay $0x1  }
0x95: {  	v3 =	vperm.xlane v3, v2;
	v4 =	vadd.s32 v1, v4;
	_ =	sdelay $0x1  }
0x96: {  	v3 =	vadd.s32 v1, v3;
	_ =	sdelay $0x1  }
0x97: {  	s25 =	simm.s32 $0xB200  }
0x98: {  	[tilespmem:s25], [sflag:$0x3] =	stream.indirect_vreg.gather [hbm4b:s1+s3], $0x80, v4, vm0, $0xb8;
	[tilespmem:$0x10200] =	vst v63  }
0x99: {  	s25 =	simm.s32 $0xBA00  }
0x9a: {  	[tilespmem:s25], [sflag:$0x3] =	stream.indirect_vreg.gather [hbm4b:s1+s3], $0x80, v3, vm0, $0xb8;
	[tilespmem:$0x10200] =	vst v63  }
0x9b: {  	_ =	swait.ge [sflag:s17], $0x4000  }
0x9c: {  	[sflag:s17] =	ssyncset.done $0x0  }
0x9d: {  	s6 =	rddreg [dreg:$0x5];
	[sflag:s17] =	ssyncadd.s32 $0xFFFFC000  }
0x9e: {  	[hbm4b:s6+s3] =	stream.linear.scatter [tilespmem:s24], [sflag:$0x6], $0x4000, $0x38;
	[tilespmem:$0x10200] =	vst v63  }
0x9f: {  	v3 =	vld [tilespmem:$0xC0];
	_ =	sdelay $0x4  }
0xa0: {  	v44 =	vshll.u32 v3, $0x1  }
0xa1: {  	v3 =	vand.u32 $0x7, v3;
	v4 =	vand.u32 $0xFFFFFFF0, v44  }
0xa2: {  	v3 =	vor.u32 v3, v4  }
0xa3: {  	v4 =	vperm.xlane v3, v0;
	_ =	sdelay $0x1  }
0xa4: {  	v3 =	vperm.xlane v3, v2;
	v4 =	vadd.s32 v1, v4;
	_ =	sdelay $0x1  }
0xa5: {  	v3 =	vadd.s32 v1, v3;
	_ =	sdelay $0x1  }
0xa6: {  	s6 =	simm.s32 $0xC200  }
0xa7: {  	[tilespmem:s6], [sflag:$0x4] =	stream.indirect_vreg.gather [hbm4b:s1+s3], $0x80, v4, vm0, $0xb8;
	[tilespmem:$0x10200] =	vst v63  }
0xa8: {  	s25 =	simm.s32 $0xCA00  }
0xa9: {  	[tilespmem:s25], [sflag:$0x4] =	stream.indirect_vreg.gather [hbm4b:s1+s3], $0x80, v3, vm0, $0xb8;
	[tilespmem:$0x10200] =	vst v63  }
0xaa: {  	v3 =	vld [tilespmem:$0xD0];
	_ =	sdelay $0x4  }
0xab: {  	v45 =	vshll.u32 v3, $0x1  }
0xac: {  	v3 =	vand.u32 $0x7, v3;
	v4 =	vand.u32 $0xFFFFFFF0, v45  }
0xad: {  	v3 =	vor.u32 v3, v4  }
0xae: {  	v4 =	vperm.xlane v3, v0;
	_ =	sdelay $0x1  }
0xaf: {  	v3 =	vperm.xlane v3, v2;
	v4 =	vadd.s32 v1, v4;
	_ =	sdelay $0x1  }
0xb0: {  	v3 =	vadd.s32 v1, v3;
	_ =	sdelay $0x1  }
0xb1: {  	s25 =	simm.s32 $0xD200  }
0xb2: {  	[tilespmem:s25], [sflag:$0x4] =	stream.indirect_vreg.gather [hbm4b:s1+s3], $0x80, v4, vm0, $0xb8;
	[tilespmem:$0x10200] =	vst v63  }
0xb3: {  	s25 =	simm.s32 $0xDA00  }
0xb4: {  	[tilespmem:s25], [sflag:$0x4] =	stream.indirect_vreg.gather [hbm4b:s1+s3], $0x80, v3, vm0, $0xb8;
	[tilespmem:$0x10200] =	vst v63  }
0xb5: {  	v3 =	vld [tilespmem:$0xE0];
	_ =	sdelay $0x4  }
0xb6: {  	v46 =	vshll.u32 v3, $0x1  }
0xb7: {  	v3 =	vand.u32 $0x7, v3;
	v4 =	vand.u32 $0xFFFFFFF0, v46  }
0xb8: {  	v3 =	vor.u32 v3, v4  }
0xb9: {  	v4 =	vperm.xlane v3, v0;
	_ =	sdelay $0x1  }
0xba: {  	v3 =	vperm.xlane v3, v2;
	v4 =	vadd.s32 v1, v4;
	_ =	sdelay $0x1  }
0xbb: {  	v3 =	vadd.s32 v1, v3;
	_ =	sdelay $0x1  }
0xbc: {  	s25 =	simm.s32 $0xE200  }
0xbd: {  	[tilespmem:s25], [sflag:$0x4] =	stream.indirect_vreg.gather [hbm4b:s1+s3], $0x80, v4, vm0, $0xb8;
	[tilespmem:$0x10200] =	vst v63  }
0xbe: {  	s25 =	simm.s32 $0xEA00  }
0xbf: {  	[tilespmem:s25], [sflag:$0x4] =	stream.indirect_vreg.gather [hbm4b:s1+s3], $0x80, v3, vm0, $0xb8;
	[tilespmem:$0x10200] =	vst v63  }
0xc0: {  	v3 =	vld [tilespmem:$0xF0];
	_ =	sdelay $0x4  }
0xc1: {  	v47 =	vshll.u32 v3, $0x1  }
0xc2: {  	v3 =	vand.u32 $0x7, v3;
	v4 =	vand.u32 $0xFFFFFFF0, v47  }
0xc3: {  	v3 =	vor.u32 v3, v4  }
0xc4: {  	v4 =	vperm.xlane v3, v0;
	_ =	sdelay $0x1  }
0xc5: {  	v3 =	vperm.xlane v3, v2;
	v4 =	vadd.s32 v1, v4;
	_ =	sdelay $0x1  }
0xc6: {  	v3 =	vadd.s32 v1, v3;
	_ =	sdelay $0x1  }
0xc7: {  	s25 =	simm.s32 $0xF200  }
0xc8: {  	[tilespmem:s25], [sflag:$0x4] =	stream.indirect_vreg.gather [hbm4b:s1+s3], $0x80, v4, vm0, $0xb8;
	[tilespmem:$0x10200] =	vst v63  }
0xc9: {  	s25 =	simm.s32 $0xFA00  }
0xca: {  	[tilespmem:s25], [sflag:$0x4] =	stream.indirect_vreg.gather [hbm4b:s1+s3], $0x80, v3, vm0, $0xb8;
	[tilespmem:$0x10200] =	vst v63  }
0xcb: {  	_ =	swait.ge [sflag:s7], $0x4000  }
0xcc: {  	[sflag:s7] =	ssyncset.done $0x0  }
0xcd: {  	s25 =	rddreg [dreg:$0x6];
	[sflag:s7] =	ssyncadd.s32 $0xFFFFC000  }
0xce: {  	[hbm4b:s25+s3] =	stream.linear.scatter [tilespmem:s8], [sflag:$0x7], $0x4000, $0x38;
	[tilespmem:$0x10200] =	vst v63  }
0xcf: {  	_ =	swait.ge [sflag:s18], $0x4000  }
0xd0: {  	[sflag:s18] =	ssyncset.done $0x0  }
0xd1: {  	[sflag:s18] =	ssyncadd.s32 $0xFFFFC000  }
0xd2: {  	v3 =	vld [tilespmem:$0x100];
	_ =	sdelay $0x4  }
0xd3: {  	v48 =	vshll.u32 v3, $0x1  }
0xd4: {  	v3 =	vand.u32 $0x7, v3;
	v4 =	vand.u32 $0xFFFFFFF0, v48  }
0xd5: {  	v3 =	vor.u32 v3, v4  }
0xd6: {  	v4 =	vperm.xlane v3, v0;
	_ =	sdelay $0x1  }
0xd7: {  	v3 =	vperm.xlane v3, v2;
	v4 =	vadd.s32 v1, v4;
	_ =	sdelay $0x1  }
0xd8: {  	v3 =	vadd.s32 v1, v3;
	_ =	sdelay $0x2  }
0xd9: {  	[tilespmem:s15], [sflag:$0x1] =	stream.indirect_vreg.gather [hbm4b:s1+s3], $0x80, v4, vm0, $0xb8;
	[tilespmem:$0x10200] =	vst v63  }
0xda: {  	_ = 	snop  }
0xdb: {  	[tilespmem:s26], [sflag:$0x1] =	stream.indirect_vreg.gather [hbm4b:s1+s3], $0x80, v3, vm0, $0xb8;
	[tilespmem:$0x10200] =	vst v63  }
0xdc: {  	v3 =	vld [tilespmem:$0x110];
	_ =	sdelay $0x4  }
0xdd: {  	v49 =	vshll.u32 v3, $0x1  }
0xde: {  	v3 =	vand.u32 $0x7, v3;
	v4 =	vand.u32 $0xFFFFFFF0, v49  }
0xdf: {  	v3 =	vor.u32 v3, v4  }
0xe0: {  	v4 =	vperm.xlane v3, v0;
	_ =	sdelay $0x1  }
0xe1: {  	v3 =	vperm.xlane v3, v2;
	v4 =	vadd.s32 v1, v4;
	_ =	sdelay $0x1  }
0xe2: {  	v3 =	vadd.s32 v1, v3;
	_ =	sdelay $0x2  }
0xe3: {  	[tilespmem:s28], [sflag:$0x1] =	stream.indirect_vreg.gather [hbm4b:s1+s3], $0x80, v4, vm0, $0xb8;
	[tilespmem:$0x10200] =	vst v63  }
0xe4: {  	_ = 	snop  }
0xe5: {  	[tilespmem:s29], [sflag:$0x1] =	stream.indirect_vreg.gather [hbm4b:s1+s3], $0x80, v3, vm0, $0xb8;
	[tilespmem:$0x10200] =	vst v63  }
0xe6: {  	v3 =	vld [tilespmem:$0x120];
	_ =	sdelay $0x4  }
0xe7: {  	v50 =	vshll.u32 v3, $0x1  }
0xe8: {  	v3 =	vand.u32 $0x7, v3;
	v4 =	vand.u32 $0xFFFFFFF0, v50  }
0xe9: {  	v3 =	vor.u32 v3, v4  }
0xea: {  	v4 =	vperm.xlane v3, v0;
	_ =	sdelay $0x1  }
0xeb: {  	v3 =	vperm.xlane v3, v2;
	v4 =	vadd.s32 v1, v4;
	_ =	sdelay $0x1  }
0xec: {  	v3 =	vadd.s32 v1, v3;
	_ =	sdelay $0x2  }
0xed: {  	[tilespmem:s30], [sflag:$0x1] =	stream.indirect_vreg.gather [hbm4b:s1+s3], $0x80, v4, vm0, $0xb8;
	[tilespmem:$0x10200] =	vst v63  }
0xee: {  	_ = 	snop  }
0xef: {  	[tilespmem:s31], [sflag:$0x1] =	stream.indirect_vreg.gather [hbm4b:s1+s3], $0x80, v3, vm0, $0xb8;
	[tilespmem:$0x10200] =	vst v63  }
0xf0: {  	v3 =	vld [tilespmem:$0x130];
	_ =	sdelay $0x4  }
0xf1: {  	v51 =	vshll.u32 v3, $0x1  }
0xf2: {  	v3 =	vand.u32 $0x7, v3;
	v4 =	vand.u32 $0xFFFFFFF0, v51  }
0xf3: {  	v3 =	vor.u32 v3, v4  }
0xf4: {  	v4 =	vperm.xlane v3, v0;
	_ =	sdelay $0x1  }
0xf5: {  	v3 =	vperm.xlane v3, v2;
	v4 =	vadd.s32 v1, v4;
	_ =	sdelay $0x1  }
0xf6: {  	v3 =	vadd.s32 v1, v3;
	_ =	sdelay $0x2  }
0xf7: {  	[tilespmem:s2], [sflag:$0x1] =	stream.indirect_vreg.gather [hbm4b:s1+s3], $0x80, v4, vm0, $0xb8;
	[tilespmem:$0x10200] =	vst v63  }
0xf8: {  	_ = 	snop  }
0xf9: {  	[tilespmem:s9], [sflag:$0x1] =	stream.indirect_vreg.gather [hbm4b:s1+s3], $0x80, v3, vm0, $0xb8;
	[tilespmem:$0x10200] =	vst v63  }
0xfa: {  	_ =	swait.ge [sflag:s19], $0x4000  }
0xfb: {  	[sflag:s19] =	ssyncset.done $0x0  }
0xfc: {  	s2 =	rddreg [dreg:$0x7];
	[sflag:s19] =	ssyncadd.s32 $0xFFFFC000  }
0xfd: {  	[hbm4b:s2+s3] =	stream.linear.scatter [tilespmem:s6], [sflag:$0x8], $0x4000, $0x38;
	[tilespmem:$0x10200] =	vst v63  }
0xfe: {  	_ =	swait.ge [sflag:s20], $0x4000  }
0xff: {  	[sflag:s20] =	ssyncset.done $0x0  }
0x100: {  	[sflag:s20] =	ssyncadd.s32 $0xFFFFC000  }
0x101: {  	v3 =	vld [tilespmem:$0x140];
	_ =	sdelay $0x4  }
0x102: {  	v52 =	vshll.u32 v3, $0x1  }
0x103: {  	v3 =	vand.u32 $0x7, v3;
	v4 =	vand.u32 $0xFFFFFFF0, v52  }
0x104: {  	v3 =	vor.u32 v3, v4  }
0x105: {  	v4 =	vperm.xlane v3, v0;
	_ =	sdelay $0x1  }
0x106: {  	v3 =	vperm.xlane v3, v2;
	v4 =	vadd.s32 v1, v4;
	_ =	sdelay $0x1  }
0x107: {  	v3 =	vadd.s32 v1, v3;
	_ =	sdelay $0x2  }
0x108: {  	[tilespmem:s24], [sflag:$0x2] =	stream.indirect_vreg.gather [hbm4b:s1+s3], $0x80, v4, vm0, $0xb8;
	[tilespmem:$0x10200] =	vst v63  }
0x109: {  	_ = 	snop  }
0x10a: {  	[tilespmem:s10], [sflag:$0x2] =	stream.indirect_vreg.gather [hbm4b:s1+s3], $0x80, v3, vm0, $0xb8;
	[tilespmem:$0x10200] =	vst v63  }
0x10b: {  	v3 =	vld [tilespmem:$0x150];
	_ =	sdelay $0x4  }
0x10c: {  	v53 =	vshll.u32 v3, $0x1  }
0x10d: {  	v3 =	vand.u32 $0x7, v3;
	v4 =	vand.u32 $0xFFFFFFF0, v53  }
0x10e: {  	v3 =	vor.u32 v3, v4  }
0x10f: {  	v4 =	vperm.xlane v3, v0;
	_ =	sdelay $0x1  }
0x110: {  	v3 =	vperm.xlane v3, v2;
	v4 =	vadd.s32 v1, v4;
	_ =	sdelay $0x1  }
0x111: {  	v3 =	vadd.s32 v1, v3;
	_ =	sdelay $0x2  }
0x112: {  	[tilespmem:s11], [sflag:$0x2] =	stream.indirect_vreg.gather [hbm4b:s1+s3], $0x80, v4, vm0, $0xb8;
	[tilespmem:$0x10200] =	vst v63  }
0x113: {  	_ = 	snop  }
0x114: {  	[tilespmem:s12], [sflag:$0x2] =	stream.indirect_vreg.gather [hbm4b:s1+s3], $0x80, v3, vm0, $0xb8;
	[tilespmem:$0x10200] =	vst v63  }
0x115: {  	v3 =	vld [tilespmem:$0x160];
	_ =	sdelay $0x4  }
0x116: {  	v54 =	vshll.u32 v3, $0x1  }
0x117: {  	v3 =	vand.u32 $0x7, v3;
	v4 =	vand.u32 $0xFFFFFFF0, v54  }
0x118: {  	v3 =	vor.u32 v3, v4  }
0x119: {  	v4 =	vperm.xlane v3, v0;
	_ =	sdelay $0x1  }
0x11a: {  	v3 =	vperm.xlane v3, v2;
	v4 =	vadd.s32 v1, v4;
	_ =	sdelay $0x1  }
0x11b: {  	v3 =	vadd.s32 v1, v3;
	_ =	sdelay $0x2  }
0x11c: {  	[tilespmem:s13], [sflag:$0x2] =	stream.indirect_vreg.gather [hbm4b:s1+s3], $0x80, v4, vm0, $0xb8;
	[tilespmem:$0x10200] =	vst v63  }
0x11d: {  	_ = 	snop  }
0x11e: {  	[tilespmem:s14], [sflag:$0x2] =	stream.indirect_vreg.gather [hbm4b:s1+s3], $0x80, v3, vm0, $0xb8;
	[tilespmem:$0x10200] =	vst v63  }
0x11f: {  	v3 =	vld [tilespmem:$0x170];
	_ =	sdelay $0x4  }
0x120: {  	v55 =	vshll.u32 v3, $0x1  }
0x121: {  	v3 =	vand.u32 $0x7, v3;
	v4 =	vand.u32 $0xFFFFFFF0, v55  }
0x122: {  	v3 =	vor.u32 v3, v4  }
0x123: {  	v4 =	vperm.xlane v3, v0;
	_ =	sdelay $0x1  }
0x124: {  	v3 =	vperm.xlane v3, v2;
	v4 =	vadd.s32 v1, v4;
	_ =	sdelay $0x1  }
0x125: {  	v3 =	vadd.s32 v1, v3;
	_ =	sdelay $0x2  }
0x126: {  	[tilespmem:s16], [sflag:$0x2] =	stream.indirect_vreg.gather [hbm4b:s1+s3], $0x80, v4, vm0, $0xb8;
	[tilespmem:$0x10200] =	vst v63  }
0x127: {  	_ = 	snop  }
0x128: {  	[tilespmem:s4], [sflag:$0x2] =	stream.indirect_vreg.gather [hbm4b:s1+s3], $0x80, v3, vm0, $0xb8;
	[tilespmem:$0x10200] =	vst v63  }
0x129: {  	_ =	swait.ge [sflag:s0], $0x4000  }
0x12a: {  	[sflag:s0] =	ssyncset.done $0x0  }
0x12b: {  	s2 =	rddreg [dreg:$0x8];
	[sflag:s0] =	ssyncadd.s32 $0xFFFFC000  }
0x12c: {  	[hbm4b:s2+s3] =	stream.linear.scatter [tilespmem:s15], [sflag:$0x5], $0x4000, $0x38;
	[tilespmem:$0x10200] =	vst v63  }
0x12d: {  	_ =	swait.ge [sflag:s21], $0x4000  }
0x12e: {  	[sflag:s21] =	ssyncset.done $0x0  }
0x12f: {  	[sflag:s21] =	ssyncadd.s32 $0xFFFFC000  }
0x130: {  	v3 =	vld [tilespmem:$0x180];
	_ =	sdelay $0x4  }
0x131: {  	v56 =	vshll.u32 v3, $0x1  }
0x132: {  	v3 =	vand.u32 $0x7, v3;
	v4 =	vand.u32 $0xFFFFFFF0, v56  }
0x133: {  	v3 =	vor.u32 v3, v4  }
0x134: {  	v4 =	vperm.xlane v3, v0;
	_ =	sdelay $0x1  }
0x135: {  	v3 =	vperm.xlane v3, v2;
	v4 =	vadd.s32 v1, v4;
	_ =	sdelay $0x1  }
0x136: {  	v3 =	vadd.s32 v1, v3;
	_ =	sdelay $0x2  }
0x137: {  	[tilespmem:s8], [sflag:$0x3] =	stream.indirect_vreg.gather [hbm4b:s1+s3], $0x80, v4, vm0, $0xb8;
	[tilespmem:$0x10200] =	vst v63  }
0x138: {  	s2 =	simm.s32 $0x8A00  }
0x139: {  	[tilespmem:s2], [sflag:$0x3] =	stream.indirect_vreg.gather [hbm4b:s1+s3], $0x80, v3, vm0, $0xb8;
	[tilespmem:$0x10200] =	vst v63  }
0x13a: {  	v3 =	vld [tilespmem:$0x190];
	_ =	sdelay $0x4  }
0x13b: {  	v57 =	vshll.u32 v3, $0x1  }
0x13c: {  	v3 =	vand.u32 $0x7, v3;
	v4 =	vand.u32 $0xFFFFFFF0, v57  }
0x13d: {  	v3 =	vor.u32 v3, v4  }
0x13e: {  	v4 =	vperm.xlane v3, v0;
	_ =	sdelay $0x1  }
0x13f: {  	v3 =	vperm.xlane v3, v2;
	v4 =	vadd.s32 v1, v4;
	_ =	sdelay $0x1  }
0x140: {  	v3 =	vadd.s32 v1, v3;
	_ =	sdelay $0x1  }
0x141: {  	s25 =	simm.s32 $0x9200  }
0x142: {  	[tilespmem:s25], [sflag:$0x3] =	stream.indirect_vreg.gather [hbm4b:s1+s3], $0x80, v4, vm0, $0xb8;
	[tilespmem:$0x10200] =	vst v63  }
0x143: {  	_ = 	snop  }
0x144: {  	[tilespmem:s23], [sflag:$0x3] =	stream.indirect_vreg.gather [hbm4b:s1+s3], $0x80, v3, vm0, $0xb8;
	[tilespmem:$0x10200] =	vst v63  }
0x145: {  	v3 =	vld [tilespmem:$0x1A0];
	_ =	sdelay $0x4  }
0x146: {  	v58 =	vshll.u32 v3, $0x1  }
0x147: {  	v3 =	vand.u32 $0x7, v3;
	v4 =	vand.u32 $0xFFFFFFF0, v58  }
0x148: {  	v3 =	vor.u32 v3, v4  }
0x149: {  	v4 =	vperm.xlane v3, v0;
	_ =	sdelay $0x1  }
0x14a: {  	v3 =	vperm.xlane v3, v2;
	v4 =	vadd.s32 v1, v4;
	_ =	sdelay $0x1  }
0x14b: {  	v3 =	vadd.s32 v1, v3;
	_ =	sdelay $0x1  }
0x14c: {  	s2 =	simm.s32 $0xA200  }
0x14d: {  	[tilespmem:s2], [sflag:$0x3] =	stream.indirect_vreg.gather [hbm4b:s1+s3], $0x80, v4, vm0, $0xb8;
	[tilespmem:$0x10200] =	vst v63  }
0x14e: {  	s25 =	simm.s32 $0xAA00  }
0x14f: {  	[tilespmem:s25], [sflag:$0x3] =	stream.indirect_vreg.gather [hbm4b:s1+s3], $0x80, v3, vm0, $0xb8;
	[tilespmem:$0x10200] =	vst v63  }
0x150: {  	v3 =	vld [tilespmem:$0x1B0];
	_ =	sdelay $0x4  }
0x151: {  	v59 =	vshll.u32 v3, $0x1  }
0x152: {  	v3 =	vand.u32 $0x7, v3;
	v4 =	vand.u32 $0xFFFFFFF0, v59  }
0x153: {  	v3 =	vor.u32 v3, v4  }
0x154: {  	v4 =	vperm.xlane v3, v0;
	_ =	sdelay $0x1  }
0x155: {  	v3 =	vperm.xlane v3, v2;
	v4 =	vadd.s32 v1, v4;
	_ =	sdelay $0x1  }
0x156: {  	v3 =	vadd.s32 v1, v3;
	_ =	sdelay $0x1  }
0x157: {  	s2 =	simm.s32 $0xB200  }
0x158: {  	[tilespmem:s2], [sflag:$0x3] =	stream.indirect_vreg.gather [hbm4b:s1+s3], $0x80, v4, vm0, $0xb8;
	[tilespmem:$0x10200] =	vst v63  }
0x159: {  	s25 =	simm.s32 $0xBA00  }
0x15a: {  	[tilespmem:s25], [sflag:$0x3] =	stream.indirect_vreg.gather [hbm4b:s1+s3], $0x80, v3, vm0, $0xb8;
	[tilespmem:$0x10200] =	vst v63  }
0x15b: {  	_ =	swait.ge [sflag:s17], $0x4000  }
0x15c: {  	[sflag:s17] =	ssyncset.done $0x0  }
0x15d: {  	s2 =	rddreg [dreg:$0x9];
	[sflag:s17] =	ssyncadd.s32 $0xFFFFC000  }
0x15e: {  	[hbm4b:s2+s3] =	stream.linear.scatter [tilespmem:s24], [sflag:$0x6], $0x4000, $0x38;
	[tilespmem:$0x10200] =	vst v63  }
0x15f: {  	_ =	swait.ge [sflag:s22], $0x4000  }
0x160: {  	[sflag:s22] =	ssyncset.done $0x0  }
0x161: {  	[sflag:s22] =	ssyncadd.s32 $0xFFFFC000  }
0x162: {  	v3 =	vld [tilespmem:$0x1C0];
	_ =	sdelay $0x4  }
0x163: {  	v60 =	vshll.u32 v3, $0x1  }
0x164: {  	v3 =	vand.u32 $0x7, v3;
	v4 =	vand.u32 $0xFFFFFFF0, v60  }
0x165: {  	v3 =	vor.u32 v3, v4  }
0x166: {  	v4 =	vperm.xlane v3, v0;
	_ =	sdelay $0x1  }
0x167: {  	v3 =	vperm.xlane v3, v2;
	v4 =	vadd.s32 v1, v4;
	_ =	sdelay $0x1  }
0x168: {  	v3 =	vadd.s32 v1, v3;
	_ =	sdelay $0x2  }
0x169: {  	[tilespmem:s6], [sflag:$0x4] =	stream.indirect_vreg.gather [hbm4b:s1+s3], $0x80, v4, vm0, $0xb8;
	[tilespmem:$0x10200] =	vst v63  }
0x16a: {  	s25 =	simm.s32 $0xCA00  }
0x16b: {  	[tilespmem:s25], [sflag:$0x4] =	stream.indirect_vreg.gather [hbm4b:s1+s3], $0x80, v3, vm0, $0xb8;
	[tilespmem:$0x10200] =	vst v63  }
0x16c: {  	v3 =	vld [tilespmem:$0x1D0];
	_ =	sdelay $0x4  }
0x16d: {  	v61 =	vshll.u32 v3, $0x1  }
0x16e: {  	v3 =	vand.u32 $0x7, v3;
	v4 =	vand.u32 $0xFFFFFFF0, v61  }
0x16f: {  	v3 =	vor.u32 v3, v4  }
0x170: {  	v4 =	vperm.xlane v3, v0;
	_ =	sdelay $0x1  }
0x171: {  	v3 =	vperm.xlane v3, v2;
	v4 =	vadd.s32 v1, v4;
	_ =	sdelay $0x1  }
0x172: {  	v3 =	vadd.s32 v1, v3;
	_ =	sdelay $0x1  }
0x173: {  	s2 =	simm.s32 $0xD200  }
0x174: {  	[tilespmem:s2], [sflag:$0x4] =	stream.indirect_vreg.gather [hbm4b:s1+s3], $0x80, v4, vm0, $0xb8;
	[tilespmem:$0x10200] =	vst v63  }
0x175: {  	s25 =	simm.s32 $0xDA00  }
0x176: {  	[tilespmem:s25], [sflag:$0x4] =	stream.indirect_vreg.gather [hbm4b:s1+s3], $0x80, v3, vm0, $0xb8;
	[tilespmem:$0x10200] =	vst v63  }
0x177: {  	v3 =	vld [tilespmem:$0x1E0];
	_ =	sdelay $0x4  }
0x178: {  	v62 =	vshll.u32 v3, $0x1  }
0x179: {  	v3 =	vand.u32 $0x7, v3;
	v4 =	vand.u32 $0xFFFFFFF0, v62  }
0x17a: {  	v3 =	vor.u32 v3, v4  }
0x17b: {  	v4 =	vperm.xlane v3, v0;
	_ =	sdelay $0x1  }
0x17c: {  	v3 =	vperm.xlane v3, v2;
	v4 =	vadd.s32 v1, v4;
	_ =	sdelay $0x1  }
0x17d: {  	v3 =	vadd.s32 v1, v3;
	_ =	sdelay $0x1  }
0x17e: {  	s2 =	simm.s32 $0xE200  }
0x17f: {  	[tilespmem:s2], [sflag:$0x4] =	stream.indirect_vreg.gather [hbm4b:s1+s3], $0x80, v4, vm0, $0xb8;
	[tilespmem:$0x10200] =	vst v63  }
0x180: {  	s25 =	simm.s32 $0xEA00  }
0x181: {  	[tilespmem:s25], [sflag:$0x4] =	stream.indirect_vreg.gather [hbm4b:s1+s3], $0x80, v3, vm0, $0xb8;
	[tilespmem:$0x10200] =	vst v63  }
0x182: {  	v3 =	vld [tilespmem:$0x1F0];
	_ =	sdelay $0x4  }
0x183: {  	v63 =	vshll.u32 v3, $0x1  }
0x184: {  	v3 =	vand.u32 $0x7, v3;
	v4 =	vand.u32 $0xFFFFFFF0, v63  }
0x185: {  	v3 =	vor.u32 v3, v4  }
0x186: {  	v4 =	vperm.xlane v3, v0;
	_ =	sdelay $0x1  }
0x187: {  	v3 =	vperm.xlane v3, v2;
	v4 =	vadd.s32 v1, v4;
	_ =	sdelay $0x1  }
0x188: {  	v3 =	vadd.s32 v1, v3;
	_ =	sdelay $0x1  }
0x189: {  	s2 =	simm.s32 $0xF200  }
0x18a: {  	[tilespmem:s2], [sflag:$0x4] =	stream.indirect_vreg.gather [hbm4b:s1+s3], $0x80, v4, vm0, $0xb8;
	[tilespmem:$0x10200] =	vst v63  }
0x18b: {  	s25 =	simm.s32 $0xFA00  }
0x18c: {  	[tilespmem:s25], [sflag:$0x4] =	stream.indirect_vreg.gather [hbm4b:s1+s3], $0x80, v3, vm0, $0xb8;
	[tilespmem:$0x10200] =	vst v63  }
0x18d: {  	_ =	swait.ge [sflag:s7], $0x4000  }
0x18e: {  	[sflag:s7] =	ssyncset.done $0x0  }
0x18f: {  	s0 =	rddreg [dreg:$0xa];
	[sflag:s7] =	ssyncadd.s32 $0xFFFFC000  }
0x190: {  	[hbm4b:s0+s3] =	stream.linear.scatter [tilespmem:s8], [sflag:$0x7], $0x4000, $0x38;
	[tilespmem:$0x10200] =	vst v63  }
0x191: {  	_ =	swait.ge [sflag:s19], $0x4000  }
0x192: {  	[sflag:s19] =	ssyncset.done $0x0  }
0x193: {  	s2 =	rddreg [dreg:$0xb];
	[sflag:s19] =	ssyncadd.s32 $0xFFFFC000  }
0x194: {  	[hbm4b:s2+s3] =	stream.linear.scatter [tilespmem:s6], [sflag:$0x8], $0x4000, $0x38;
	[tilespmem:$0x10200] =	vst v63  }
0x195: {  	_ =	swait.ge [sflag:s18], $0x4000  }
0x196: {  	[sflag:s18] =	ssyncset.done $0x0  }
0x197: {  	[sflag:s18] =	ssyncadd.s32 $0xFFFFC000  }
0x198: {  	_ =	swait.ge [sflag:s20], $0x4000  }
0x199: {  	[sflag:s20] =	ssyncset.done $0x0  }
0x19a: {  	[sflag:s20] =	ssyncadd.s32 $0xFFFFC000  }
0x19b: {  	p0 =	sne.s32 s5, $0x1;
	_ =	swait.ge [sflag:s21], $0x4000  }
.Ltmp0:
0x19c: {  	[sflag:s21] =	ssyncset.done $0x0;
	(pc) =	sbr.rel @p0 .LBB2_1-.Ltmp0, $4  }
0x19d: {  	[sflag:s21] =	ssyncadd.s32 $0xFFFFC000  }
0x19e: {  	_ =	swait.ge [sflag:s22], $0x4000  }
0x19f: {  	[sflag:s22] =	ssyncset.done $0x0  }
0x1a0: {  	s5 =	sadd.s32 $0xFFFFFFFF, s5;
	[sflag:s22] =	ssyncadd.s32 $0xFFFFC000  }
0x1a1: {  	_ =	sfence.sel $0x180000  }
0x1a2: {  	[bflag:$0x0] =	sbarrier.arrive $0xFFFF  }
0x1a3: {  	_ =	strace $0x90000047  }
0x1a4: {  	s0 =	stileid.u32;
	[bflag:$0x2] =	sbarrier.arrive $0xFFFF  }
0x1a5: {  	p0 =	sne.s32 s0, $0x0;
	s0 =	rddreg [dreg:$0x3]  }
0x1a6: {  	s0 =	sadd.s32 @!p0 $0x100000, s0  }
0x1a7: {  	[sflag:s0] =	ssyncadd.tile.s32 @!p0 $0x1;
	_ =	shalt  }
.Lfunc_end2:
_tile_overlayer_lowered:
.L_overlay_start_2:
0x1a8: {  	(tag) =	ssettag $0x2  }
0x1a9: {  	s0 =	rddreg [dreg:$0x0];
	s2 =	stileid.u32  }
0x1aa: {  	s1 =	rddreg [dreg:$0x1];
	p0 =	sne.s32 s2, $0x0  }
0x1ab: {  	s3 =	rddreg [dreg:$0x2];
	[bflag:$0x3] =	sbarrier.arrive $0xFFFF;
	s2 =	simm.s32 @!p0 $0x1C09  }
0x1ac: {  	[timem:s3], [sflag:s2] =	dma.local @!p0 [hbm:s0], s1  }
0x1ad: {  	s0 =	simm.s32 @!p0 $0x9  }
0x1ae: {  	_ =	swait.ge @!p0 [sflag:s0], s1  }
0x1af: {  	s1 =	ssub.s32 @!p0 $0x0, s1;
	[sflag:s0] =	ssyncset.done @!p0 $0x0  }
0x1b0: {  	[sflag:s0] =	ssyncadd.s32 @!p0 s1  }
0x1b1: {  	[bflag:$0x3] =	sbarrier.arrive $0xFFFF  }
0x1b2: {  	_ =	shalt  }

</sc_bundles>
